<compile_context>
chip_gen: v7x
topology: tpu7x:2x2x1
jax: 0.10.2.dev20260603
libtpu: 0.0.44.dev20260713+nightly
codegen_flags: <defaults>
</compile_context>

<pallas_src>
import functools

import jax
import jax.numpy as jnp
from jax import lax
from jax.experimental import pallas as pl
from jax.experimental.pallas import tpu as pltpu
from jax.experimental.pallas import tpu_sc as plsc

_N = 10000
_E = 320000
_G = 64
_H = 256

_TILES = 16
_CHUNK = 80
_EPT = _E // _TILES
_NP = 10240
_RPT = _NP // _TILES


def _make_scatter_add(split):
  fh = 128
  ept = _EPT if split else _EPT // 2
  nchunk = ept // _CHUNK
  mesh = plsc.VectorSubcoreMesh(core_axis_name="c", subcore_axis_name="s")

  @functools.partial(
      pl.kernel,
      out_type=jax.ShapeDtypeStruct((2, _NP, fh), jnp.float32),
      mesh=mesh,
      scratch_types=[
          pltpu.VMEM((_CHUNK,), jnp.int32),
          pltpu.VMEM((_CHUNK,), jnp.int32),
          pltpu.VMEM((_CHUNK, fh), jnp.float32),
          pltpu.VMEM_SHARED((_NP, fh), jnp.float32),
          pltpu.SemaphoreType.DMA,
      ],
  )
  def sc_kernel(x2, gidx, dst, zrows, out, idxg_v, idxd_v, rows_v, agg_sh,
                sem):
    c = lax.axis_index("c")
    s = lax.axis_index("s")
    r0 = s * _RPT
    pltpu.sync_copy(zrows.at[pl.ds(r0, _RPT)], agg_sh.at[pl.ds(r0, _RPT)])
    plsc.subcore_barrier()
    if split:
      e0 = s * ept
      g0 = c * _E + e0
    else:
      e0 = (c * _TILES + s) * ept
      g0 = e0

    def chunk(j, carry):
      base = j * _CHUNK
      pltpu.sync_copy(gidx.at[pl.ds(g0 + base, _CHUNK)], idxg_v)
      pltpu.sync_copy(dst.at[pl.ds(e0 + base, _CHUNK)], idxd_v)
      pltpu.async_copy(x2.at[idxg_v], rows_v, sem).wait()
      pltpu.sync_copy(rows_v, agg_sh.at[idxd_v], add=True)
      return carry

    lax.fori_loop(0, nchunk, chunk, 0)
    plsc.subcore_barrier()
    pltpu.sync_copy(agg_sh.at[pl.ds(r0, _RPT)],
                    out.at[c].at[pl.ds(r0, _RPT)])

  return sc_kernel


_scatter_sum = _make_scatter_add(False)
_scatter_split = _make_scatter_add(True)


def _bn_relu(h, g, b):
  mu = jnp.mean(h, axis=0, keepdims=True)
  d = h - mu
  var = jnp.mean(d * d, axis=0, keepdims=True)
  return jnp.maximum(d / jnp.sqrt(var + 1e-5) * g + b, 0.0)


def _combine(agg_ref, split):
  if split:
    return jnp.concatenate([agg_ref[0, :_N], agg_ref[1, :_N]], axis=1)
  return agg_ref[0, :_N] + agg_ref[1, :_N]


def _dense_body(split, eps_ref, x_ref, agg_ref, wa_ref, ba_ref, ga_ref,
                bea_ref, wb_ref, bb_ref, go_ref, beo_ref, out_ref):
  agg = _combine(agg_ref, split)
  m = x_ref[...] * (1.0 + eps_ref[0, 0]) + agg
  h = jnp.dot(m, wa_ref[...], preferred_element_type=jnp.float32) + ba_ref[...]
  z = _bn_relu(h, ga_ref[...], bea_ref[...])
  h2 = jnp.dot(z, wb_ref[...], preferred_element_type=jnp.float32) + bb_ref[...]
  out_ref[...] = _bn_relu(h2, go_ref[...], beo_ref[...])


def _dense_pool_body(eps_ref, x_ref, agg_ref, wa_ref, ba_ref, ga_ref, bea_ref,
                     wb_ref, bb_ref, go_ref, beo_ref, batch_ref, wlin_ref,
                     blin_ref, out_ref):
  agg = _combine(agg_ref, True)
  m = x_ref[...] * (1.0 + eps_ref[0, 0]) + agg
  h = jnp.dot(m, wa_ref[...], preferred_element_type=jnp.float32) + ba_ref[...]
  z = _bn_relu(h, ga_ref[...], bea_ref[...])
  h2 = jnp.dot(z, wb_ref[...], preferred_element_type=jnp.float32) + bb_ref[...]
  x3 = _bn_relu(h2, go_ref[...], beo_ref[...])
  b = batch_ref[...]
  seg = lax.broadcasted_iota(jnp.int32, (_G, _N), 0)
  mask = (b == seg).astype(jnp.float32)
  pooled = jnp.dot(mask, x3, preferred_element_type=jnp.float32)
  out_ref[...] = (jnp.dot(pooled, wlin_ref[...],
                          preferred_element_type=jnp.float32) + blin_ref[...])


def _specs(n):
  return [pl.BlockSpec(memory_space=pltpu.SMEM)] + [pl.BlockSpec()] * n


def _dense_call(split, eps, x, agg, wa, ba, ga, bea, wb, bb, go, beo):
  return pl.pallas_call(
      functools.partial(_dense_body, split),
      out_shape=jax.ShapeDtypeStruct((_N, _H), jnp.float32),
      in_specs=_specs(10),
  )(jnp.reshape(eps, (1, 1)), x, agg, wa, ba, ga, bea, wb, bb, go, beo)


def _dense_pool_call(eps, x, agg, wa, ba, ga, bea, wb, bb, go, beo, batch,
                     wlin, blin):
  return pl.pallas_call(
      _dense_pool_body,
      out_shape=jax.ShapeDtypeStruct((_G, wlin.shape[1]), jnp.float32),
      in_specs=_specs(13),
  )(jnp.reshape(eps, (1, 1)), x, agg, wa, ba, ga, bea, wb, bb, go, beo,
    batch, wlin, blin)


def _row2(v):
  return jnp.reshape(v, (1, -1))


def kernel(x, edge_index, batch,
           eps1, W1a, b1a, g1a, be1a, W1b, b1b, g1o, be1o,
           eps2, W2a, b2a, g2a, be2a, W2b, b2b, g2o, be2o,
           eps3, W3a, b3a, g3a, be3a, W3b, b3b, g3o, be3o,
           Wlin, blin):
  x = x.astype(jnp.float32)
  src = edge_index[0].astype(jnp.int32)
  dst = edge_index[1].astype(jnp.int32)
  gidx2 = jnp.concatenate([2 * src, 2 * src + 1])
  z128 = jnp.zeros((_NP, 128), jnp.float32)
  batch2 = jnp.reshape(batch.astype(jnp.int32), (1, _N))

  agg1 = _scatter_sum(x, src, dst, z128)
  x1 = _dense_call(False, eps1, x, agg1, W1a, _row2(b1a), _row2(g1a),
                   _row2(be1a), W1b, _row2(b1b), _row2(g1o), _row2(be1o))
  agg2 = _scatter_split(x1.reshape(2 * _N, 128), gidx2, dst, z128)
  x2 = _dense_call(True, eps2, x1, agg2, W2a, _row2(b2a), _row2(g2a),
                   _row2(be2a), W2b, _row2(b2b), _row2(g2o), _row2(be2o))
  agg3 = _scatter_split(x2.reshape(2 * _N, 128), gidx2, dst, z128)
  return _dense_pool_call(eps3, x2, agg3, W3a, _row2(b3a), _row2(g3a),
                          _row2(be3a), W3b, _row2(b3b), _row2(g3o),
                          _row2(be3o), batch2, Wlin, _row2(blin))

# --- scband reference (transcript-rebuilt; emitter-appended) ---
"""Pipeline reference for scband-ginmodel-16939351016117 (READ-ONLY COPY).

The authoritative reference and input builder live on the scoring server;
editing this copy changes nothing except your own understanding.
"""

import jax, jax.numpy as jnp
import numpy as np

N = 10000
E = 320000
F_IN = 128
H = 256
C = 2
G = 64


def setup_inputs(seed: int = 0) -> dict:
    key = jax.random.key(seed)
    ks = iter(jax.random.split(key, 40))

    def nrm(shape, scale):
        return jax.random.normal(next(ks), shape, dtype=jnp.float32) * scale

    inp = {}
    inp["x"] = jax.random.normal(next(ks), (N, F_IN), dtype=jnp.float32)
    inp["edge_index"] = jax.random.randint(next(ks), (2, E), 0, N)
    inp["batch"] = jnp.sort(jax.random.randint(next(ks), (N,), 0, G))
    dims = [(F_IN, H), (H, H), (H, H)]
    for i, (fi, fo) in enumerate(dims, 1):
        inp[f"eps{i}"] = jnp.zeros((), dtype=jnp.float32)
        inp[f"W{i}a"] = nrm((fi, fo), 1.0 / np.sqrt(fi))
        inp[f"b{i}a"] = jnp.zeros((fo,), dtype=jnp.float32)
        inp[f"g{i}a"] = jnp.ones((fo,), dtype=jnp.float32)
        inp[f"be{i}a"] = jnp.zeros((fo,), dtype=jnp.float32)
        inp[f"W{i}b"] = nrm((fo, fo), 1.0 / np.sqrt(fo))
        inp[f"b{i}b"] = jnp.zeros((fo,), dtype=jnp.float32)
        inp[f"g{i}o"] = jnp.ones((fo,), dtype=jnp.float32)
        inp[f"be{i}o"] = jnp.zeros((fo,), dtype=jnp.float32)
    inp["Wlin"] = nrm((H, C), 1.0 / np.sqrt(H))
    inp["blin"] = jnp.zeros((C,), dtype=jnp.float32)
    return inp


def _bn(x, g, b):
    m = jnp.mean(x, axis=0)
    v = jnp.var(x, axis=0)
    return (x - m) / jnp.sqrt(v + 1e-5) * g + b


def _gin_conv(x, src, dst, eps, Wa, ba, ga, bea, Wb, bb):
    # sum aggregation of neighbor messages: scatter-add x[src] -> dst
    agg = jnp.zeros_like(x).at[dst].add(x[src])
    h = (1.0 + eps) * x + agg
    h = h @ Wa + ba
    h = _bn(h, ga, bea)
    h = jax.nn.relu(h)
    h = h @ Wb + bb
    return h


def reference(x, edge_index, batch,
              eps1, W1a, b1a, g1a, be1a, W1b, b1b, g1o, be1o,
              eps2, W2a, b2a, g2a, be2a, W2b, b2b, g2o, be2o,
              eps3, W3a, b3a, g3a, be3a, W3b, b3b, g3o, be3o,
              Wlin, blin):
    inp = dict(locals())
    x = inp["x"].astype(jnp.float32)
    ei = inp["edge_index"]
    batch = inp["batch"]
    src, dst = ei[0], ei[1]
    for i in (1, 2, 3):
        x = _gin_conv(x, src, dst, inp[f"eps{i}"], inp[f"W{i}a"], inp[f"b{i}a"],
                      inp[f"g{i}a"], inp[f"be{i}a"], inp[f"W{i}b"], inp[f"b{i}b"])
        x = _bn(x, inp[f"g{i}o"], inp[f"be{i}o"])
        x = jax.nn.relu(x)
        # dropout is identity in eval / deterministic reference
    pooled = jax.ops.segment_sum(x, batch, num_segments=G)
    return pooled @ inp["Wlin"] + inp["blin"]

if __name__ == "__main__":
    import jax
    _d = setup_inputs()
    print(jax.jit(kernel)(*tuple(_d.values())))

</pallas_src>

<mosaic_0001>
#map = affine_map<(d0, d1) -> (0, 0)>
#map1 = affine_map<(d0, d1) -> (0)>
#map2 = affine_map<(d0, d1) -> (0, 0, 0)>
module attributes {stable_mosaic.version = 14 : i64} {
  func.func @sc_kernel(%arg0: i32, %arg1: i32, %arg2: memref<10000x128xf32, #tpu.memory_space<hbm>>, %arg3: memref<320000xi32, #tpu.memory_space<hbm>>, %arg4: memref<320000xi32, #tpu.memory_space<hbm>>, %arg5: memref<10240x128xf32, #tpu.memory_space<hbm>>, %arg6: memref<2x10240x128xf32, #tpu.memory_space<hbm>>, %arg7: memref<80xi32, #tpu.memory_space<vmem>>, %arg8: memref<80xi32, #tpu.memory_space<vmem>>, %arg9: memref<80x128xf32, #tpu.memory_space<vmem>>, %arg10: memref<10240x128xf32, #tpu.memory_space<vmem_shared>>, %arg11: memref<!tpu.dma_semaphore, #tpu.memory_space<semaphore_mem>>) attributes {dimension_semantics = [#tpu.dimension_semantics<core_parallel>, #tpu.dimension_semantics<subcore_parallel>], iteration_bounds = array<i64: 2, 16>, scalar_prefetch = 0 : i64, scratch_operands = 5 : i64, tpu.core_type = #tpu.core_type<sc_vector_subcore>, window_params = [{transform_indices = #map}, {transform_indices = #map1}, {transform_indices = #map1}, {transform_indices = #map}, {transform_indices = #map2}]} {
    %mul3A = arith.constant 640 : i32
    %mul3A_0 = arith.muli %arg1, %mul3A : i32
    "tpu.region"() ({
      %run_scoped3A = tpu.sem_alloc : memref<!tpu.dma_semaphore, #tpu.memory_space<semaphore_mem>>
      %dma_start3A = arith.constant 0 : i32
      %dma_start3A_11 = tpu.memref_slice %arg10[%mul3A_0, %dma_start3A] : memref<10240x128xf32, #tpu.memory_space<vmem_shared>> -> memref<640x128xf32, #tpu.memory_space<vmem_shared>>
      %dma_start3A_12 = arith.constant 0 : i32
      %dma_start3A_13 = tpu.memref_slice %arg5[%mul3A_0, %dma_start3A_12] : memref<10240x128xf32, #tpu.memory_space<hbm>> -> memref<640x128xf32, #tpu.memory_space<hbm>>
      tpu.enqueue_dma source(%dma_start3A_13 : memref<640x128xf32, #tpu.memory_space<hbm>>) target(%dma_start3A_11 : memref<640x128xf32, #tpu.memory_space<vmem_shared>>) target_semaphore(%run_scoped3A : memref<!tpu.dma_semaphore, #tpu.memory_space<semaphore_mem>>)
      %dma_wait3A = arith.constant 0 : i32
      %dma_wait3A_14 = tpu.memref_slice %arg10[%mul3A_0, %dma_wait3A] : memref<10240x128xf32, #tpu.memory_space<vmem_shared>> -> memref<640x128xf32, #tpu.memory_space<vmem_shared>>
      %dma_wait3A_15 = arith.constant 0 : i32
      %dma_wait3A_16 = tpu.memref_slice %arg5[%mul3A_0, %dma_wait3A_15] : memref<10240x128xf32, #tpu.memory_space<hbm>> -> memref<640x128xf32, #tpu.memory_space<hbm>>
      tpu.wait_dma2 semaphore(%run_scoped3A : memref<!tpu.dma_semaphore, #tpu.memory_space<semaphore_mem>>) src(%dma_wait3A_16 : memref<640x128xf32, #tpu.memory_space<hbm>>) dst(%dma_wait3A_14 : memref<640x128xf32, #tpu.memory_space<vmem_shared>>)
      tpu.yield
    }) : () -> ()
    %barrier3A = arith.constant 0 : index
    tpu.barrier barrier_id(%barrier3A)
    %mul3A_1 = arith.constant 16 : i32
    %mul3A_2 = arith.muli %arg0, %mul3A_1 : i32
    %add3A = arith.addi %mul3A_2, %arg1 : i32
    %mul3A_3 = arith.constant 10000 : i32
    %mul3A_4 = arith.muli %add3A, %mul3A_3 : i32
    %scan3A = arith.constant 0 : i32
    %scan3A_5 = arith.constant 0 : i32
    %scan3A_6 = arith.constant 125 : i32
    %scan3A_7 = arith.addi %scan3A_5, %scan3A_6 : i32
    %scan3A_8 = arith.constant 1 : i32
    scf.for %scan3A_11 = %scan3A_5 to %scan3A_7 step %scan3A_8  : i32 {
      %mul3A_12 = arith.constant 80 : i32
      %mul3A_13 = arith.muli %scan3A_11, %mul3A_12 : i32
      %add3A_14 = arith.addi %mul3A_4, %mul3A_13 : i32
      "tpu.region"() ({
        %run_scoped3A = tpu.sem_alloc : memref<!tpu.dma_semaphore, #tpu.memory_space<semaphore_mem>>
        %dma_start3A_20 = tpu.memref_slice %arg3[%add3A_14] : memref<320000xi32, #tpu.memory_space<hbm>> -> memref<80xi32, #tpu.memory_space<hbm>>
        %dma_start3A_21 = tpu.memref_slice %arg3[%add3A_14] : memref<320000xi32, #tpu.memory_space<hbm>> -> memref<80xi32, #tpu.memory_space<hbm>>
        tpu.enqueue_dma source(%dma_start3A_21 : memref<80xi32, #tpu.memory_space<hbm>>) target(%arg7 : memref<80xi32, #tpu.memory_space<vmem>>) target_semaphore(%run_scoped3A : memref<!tpu.dma_semaphore, #tpu.memory_space<semaphore_mem>>)
        %dma_wait3A_22 = tpu.memref_slice %arg3[%add3A_14] : memref<320000xi32, #tpu.memory_space<hbm>> -> memref<80xi32, #tpu.memory_space<hbm>>
        %dma_wait3A_23 = tpu.memref_slice %arg3[%add3A_14] : memref<320000xi32, #tpu.memory_space<hbm>> -> memref<80xi32, #tpu.memory_space<hbm>>
        tpu.wait_dma2 semaphore(%run_scoped3A : memref<!tpu.dma_semaphore, #tpu.memory_space<semaphore_mem>>) src(%dma_wait3A_23 : memref<80xi32, #tpu.memory_space<hbm>>) dst(%arg7 : memref<80xi32, #tpu.memory_space<vmem>>)
        tpu.yield
      }) : () -> ()
      %add3A_15 = arith.addi %mul3A_4, %mul3A_13 : i32
      "tpu.region"() ({
        %run_scoped3A = tpu.sem_alloc : memref<!tpu.dma_semaphore, #tpu.memory_space<semaphore_mem>>
        %dma_start3A_20 = tpu.memref_slice %arg4[%add3A_15] : memref<320000xi32, #tpu.memory_space<hbm>> -> memref<80xi32, #tpu.memory_space<hbm>>
        %dma_start3A_21 = tpu.memref_slice %arg4[%add3A_15] : memref<320000xi32, #tpu.memory_space<hbm>> -> memref<80xi32, #tpu.memory_space<hbm>>
        tpu.enqueue_dma source(%dma_start3A_21 : memref<80xi32, #tpu.memory_space<hbm>>) target(%arg8 : memref<80xi32, #tpu.memory_space<vmem>>) target_semaphore(%run_scoped3A : memref<!tpu.dma_semaphore, #tpu.memory_space<semaphore_mem>>)
        %dma_wait3A_22 = tpu.memref_slice %arg4[%add3A_15] : memref<320000xi32, #tpu.memory_space<hbm>> -> memref<80xi32, #tpu.memory_space<hbm>>
        %dma_wait3A_23 = tpu.memref_slice %arg4[%add3A_15] : memref<320000xi32, #tpu.memory_space<hbm>> -> memref<80xi32, #tpu.memory_space<hbm>>
        tpu.wait_dma2 semaphore(%run_scoped3A : memref<!tpu.dma_semaphore, #tpu.memory_space<semaphore_mem>>) src(%dma_wait3A_23 : memref<80xi32, #tpu.memory_space<hbm>>) dst(%arg8 : memref<80xi32, #tpu.memory_space<vmem>>)
        tpu.yield
      }) : () -> ()
      %dma_start3A = arith.constant 0 : i32
      %dma_start3A_16 = arith.constant 0 : i32
      %dma_start3A_17 = tpu.memref_slice %arg2[%dma_start3A, %dma_start3A_16] : memref<10000x128xf32, #tpu.memory_space<hbm>> -> memref<10000x128xf32, #tpu.memory_space<hbm>>
      tpu.enqueue_indirect_dma source(%dma_start3A_17 : memref<10000x128xf32, #tpu.memory_space<hbm>>) target(%arg9 : memref<80x128xf32, #tpu.memory_space<vmem>>) offsets(%arg7 : memref<80xi32, #tpu.memory_space<vmem>>) semaphore(%arg11 : memref<!tpu.dma_semaphore, #tpu.memory_space<semaphore_mem>>)
      %dma_wait3A = arith.constant 0 : i32
      %dma_wait3A_18 = arith.constant 0 : i32
      %dma_wait3A_19 = tpu.memref_slice %arg2[%dma_wait3A, %dma_wait3A_18] : memref<10000x128xf32, #tpu.memory_space<hbm>> -> memref<10000x128xf32, #tpu.memory_space<hbm>>
      tpu.wait_indirect_dma semaphore(%arg11 : memref<!tpu.dma_semaphore, #tpu.memory_space<semaphore_mem>>) src(%dma_wait3A_19 : memref<10000x128xf32, #tpu.memory_space<hbm>>) dst(%arg9 : memref<80x128xf32, #tpu.memory_space<vmem>>)
      "tpu.region"() ({
        %run_scoped3A = tpu.sem_alloc : memref<!tpu.dma_semaphore, #tpu.memory_space<semaphore_mem>>
        %dma_start3A_20 = arith.constant 0 : i32
        %dma_start3A_21 = arith.constant 0 : i32
        %dma_start3A_22 = tpu.memref_slice %arg10[%dma_start3A_20, %dma_start3A_21] : memref<10240x128xf32, #tpu.memory_space<vmem_shared>> -> memref<10240x128xf32, #tpu.memory_space<vmem_shared>>
        tpu.enqueue_indirect_dma source(%arg9 : memref<80x128xf32, #tpu.memory_space<vmem>>) target(%dma_start3A_22 : memref<10240x128xf32, #tpu.memory_space<vmem_shared>>) offsets(%arg8 : memref<80xi32, #tpu.memory_space<vmem>>) semaphore(%run_scoped3A : memref<!tpu.dma_semaphore, #tpu.memory_space<semaphore_mem>>) {add = true}
        %dma_wait3A_23 = arith.constant 0 : i32
        %dma_wait3A_24 = arith.constant 0 : i32
        %dma_wait3A_25 = tpu.memref_slice %arg10[%dma_wait3A_23, %dma_wait3A_24] : memref<10240x128xf32, #tpu.memory_space<vmem_shared>> -> memref<10240x128xf32, #tpu.memory_space<vmem_shared>>
        tpu.wait_indirect_dma semaphore(%run_scoped3A : memref<!tpu.dma_semaphore, #tpu.memory_space<semaphore_mem>>) src(%arg9 : memref<80x128xf32, #tpu.memory_space<vmem>>) dst(%dma_wait3A_25 : memref<10240x128xf32, #tpu.memory_space<vmem_shared>>)
        tpu.yield
      }) : () -> ()
    }
    %scan3A_9 = arith.constant 125 : i32
    %barrier3A_10 = arith.constant 0 : index
    tpu.barrier barrier_id(%barrier3A_10)
    "tpu.region"() ({
      %run_scoped3A = tpu.sem_alloc : memref<!tpu.dma_semaphore, #tpu.memory_space<semaphore_mem>>
      %dma_start3A = arith.constant 0 : i32
      %dma_start3A_11 = arith.constant 0 : i32
      %dma_start3A_12 = tpu.memref_slice %arg6[%arg0, %dma_start3A, %dma_start3A_11] : memref<2x10240x128xf32, #tpu.memory_space<hbm>> -> memref<1x10240x128xf32, #tpu.memory_space<hbm>>
      %dma_start3A_13 = tpu.memref_squeeze %dma_start3A_12 : memref<1x10240x128xf32, #tpu.memory_space<hbm>> -> memref<10240x128xf32, #tpu.memory_space<hbm>>
      %dma_start3A_14 = arith.constant 0 : i32
      %dma_start3A_15 = tpu.memref_slice %dma_start3A_13[%mul3A_0, %dma_start3A_14] : memref<10240x128xf32, #tpu.memory_space<hbm>> -> memref<640x128xf32, #tpu.memory_space<hbm>>
      %dma_start3A_16 = arith.constant 0 : i32
      %dma_start3A_17 = tpu.memref_slice %arg10[%mul3A_0, %dma_start3A_16] : memref<10240x128xf32, #tpu.memory_space<vmem_shared>> -> memref<640x128xf32, #tpu.memory_space<vmem_shared>>
      tpu.enqueue_dma source(%dma_start3A_17 : memref<640x128xf32, #tpu.memory_space<vmem_shared>>) target(%dma_start3A_15 : memref<640x128xf32, #tpu.memory_space<hbm>>) target_semaphore(%run_scoped3A : memref<!tpu.dma_semaphore, #tpu.memory_space<semaphore_mem>>)
      %dma_wait3A = arith.constant 0 : i32
      %dma_wait3A_18 = arith.constant 0 : i32
      %dma_wait3A_19 = tpu.memref_slice %arg6[%arg0, %dma_wait3A, %dma_wait3A_18] : memref<2x10240x128xf32, #tpu.memory_space<hbm>> -> memref<1x10240x128xf32, #tpu.memory_space<hbm>>
      %dma_wait3A_20 = tpu.memref_squeeze %dma_wait3A_19 : memref<1x10240x128xf32, #tpu.memory_space<hbm>> -> memref<10240x128xf32, #tpu.memory_space<hbm>>
      %dma_wait3A_21 = arith.constant 0 : i32
      %dma_wait3A_22 = tpu.memref_slice %dma_wait3A_20[%mul3A_0, %dma_wait3A_21] : memref<10240x128xf32, #tpu.memory_space<hbm>> -> memref<640x128xf32, #tpu.memory_space<hbm>>
      %dma_wait3A_23 = arith.constant 0 : i32
      %dma_wait3A_24 = tpu.memref_slice %arg10[%mul3A_0, %dma_wait3A_23] : memref<10240x128xf32, #tpu.memory_space<vmem_shared>> -> memref<640x128xf32, #tpu.memory_space<vmem_shared>>
      tpu.wait_dma2 semaphore(%run_scoped3A : memref<!tpu.dma_semaphore, #tpu.memory_space<semaphore_mem>>) src(%dma_wait3A_24 : memref<640x128xf32, #tpu.memory_space<vmem_shared>>) dst(%dma_wait3A_22 : memref<640x128xf32, #tpu.memory_space<hbm>>)
      tpu.yield
    }) : () -> ()
    return
  }
}

#map = affine_map<(d0, d1) -> (0, 0)>
#map1 = affine_map<(d0, d1) -> (0)>
#map2 = affine_map<(d0, d1) -> (0, 0, 0)>
module attributes {stable_mosaic.version = 14 : i64} {
  func.func @sc_kernel(%arg0: i32, %arg1: i32, %arg2: memref<20000x128xf32, #tpu.memory_space<hbm>>, %arg3: memref<640000xi32, #tpu.memory_space<hbm>>, %arg4: memref<320000xi32, #tpu.memory_space<hbm>>, %arg5: memref<10240x128xf32, #tpu.memory_space<hbm>>, %arg6: memref<2x10240x128xf32, #tpu.memory_space<hbm>>, %arg7: memref<80xi32, #tpu.memory_space<vmem>>, %arg8: memref<80xi32, #tpu.memory_space<vmem>>, %arg9: memref<80x128xf32, #tpu.memory_space<vmem>>, %arg10: memref<10240x128xf32, #tpu.memory_space<vmem_shared>>, %arg11: memref<!tpu.dma_semaphore, #tpu.memory_space<semaphore_mem>>) attributes {dimension_semantics = [#tpu.dimension_semantics<core_parallel>, #tpu.dimension_semantics<subcore_parallel>], iteration_bounds = array<i64: 2, 16>, scalar_prefetch = 0 : i64, scratch_operands = 5 : i64, tpu.core_type = #tpu.core_type<sc_vector_subcore>, window_params = [{transform_indices = #map}, {transform_indices = #map1}, {transform_indices = #map1}, {transform_indices = #map}, {transform_indices = #map2}]} {
    %mul3A = arith.constant 640 : i32
    %mul3A_0 = arith.muli %arg1, %mul3A : i32
    "tpu.region"() ({
      %run_scoped3A = tpu.sem_alloc : memref<!tpu.dma_semaphore, #tpu.memory_space<semaphore_mem>>
      %dma_start3A = arith.constant 0 : i32
      %dma_start3A_11 = tpu.memref_slice %arg10[%mul3A_0, %dma_start3A] : memref<10240x128xf32, #tpu.memory_space<vmem_shared>> -> memref<640x128xf32, #tpu.memory_space<vmem_shared>>
      %dma_start3A_12 = arith.constant 0 : i32
      %dma_start3A_13 = tpu.memref_slice %arg5[%mul3A_0, %dma_start3A_12] : memref<10240x128xf32, #tpu.memory_space<hbm>> -> memref<640x128xf32, #tpu.memory_space<hbm>>
      tpu.enqueue_dma source(%dma_start3A_13 : memref<640x128xf32, #tpu.memory_space<hbm>>) target(%dma_start3A_11 : memref<640x128xf32, #tpu.memory_space<vmem_shared>>) target_semaphore(%run_scoped3A : memref<!tpu.dma_semaphore, #tpu.memory_space<semaphore_mem>>)
      %dma_wait3A = arith.constant 0 : i32
      %dma_wait3A_14 = tpu.memref_slice %arg10[%mul3A_0, %dma_wait3A] : memref<10240x128xf32, #tpu.memory_space<vmem_shared>> -> memref<640x128xf32, #tpu.memory_space<vmem_shared>>
      %dma_wait3A_15 = arith.constant 0 : i32
      %dma_wait3A_16 = tpu.memref_slice %arg5[%mul3A_0, %dma_wait3A_15] : memref<10240x128xf32, #tpu.memory_space<hbm>> -> memref<640x128xf32, #tpu.memory_space<hbm>>
      tpu.wait_dma2 semaphore(%run_scoped3A : memref<!tpu.dma_semaphore, #tpu.memory_space<semaphore_mem>>) src(%dma_wait3A_16 : memref<640x128xf32, #tpu.memory_space<hbm>>) dst(%dma_wait3A_14 : memref<640x128xf32, #tpu.memory_space<vmem_shared>>)
      tpu.yield
    }) : () -> ()
    %barrier3A = arith.constant 0 : index
    tpu.barrier barrier_id(%barrier3A)
    %mul3A_1 = arith.constant 20000 : i32
    %mul3A_2 = arith.muli %arg1, %mul3A_1 : i32
    %mul3A_3 = arith.constant 320000 : i32
    %mul3A_4 = arith.muli %arg0, %mul3A_3 : i32
    %add3A = arith.addi %mul3A_4, %mul3A_2 : i32
    %scan3A = arith.constant 0 : i32
    %scan3A_5 = arith.constant 0 : i32
    %scan3A_6 = arith.constant 250 : i32
    %scan3A_7 = arith.addi %scan3A_5, %scan3A_6 : i32
    %scan3A_8 = arith.constant 1 : i32
    scf.for %scan3A_11 = %scan3A_5 to %scan3A_7 step %scan3A_8  : i32 {
      %mul3A_12 = arith.constant 80 : i32
      %mul3A_13 = arith.muli %scan3A_11, %mul3A_12 : i32
      %add3A_14 = arith.addi %add3A, %mul3A_13 : i32
      "tpu.region"() ({
        %run_scoped3A = tpu.sem_alloc : memref<!tpu.dma_semaphore, #tpu.memory_space<semaphore_mem>>
        %dma_start3A_20 = tpu.memref_slice %arg3[%add3A_14] : memref<640000xi32, #tpu.memory_space<hbm>> -> memref<80xi32, #tpu.memory_space<hbm>>
        %dma_start3A_21 = tpu.memref_slice %arg3[%add3A_14] : memref<640000xi32, #tpu.memory_space<hbm>> -> memref<80xi32, #tpu.memory_space<hbm>>
        tpu.enqueue_dma source(%dma_start3A_21 : memref<80xi32, #tpu.memory_space<hbm>>) target(%arg7 : memref<80xi32, #tpu.memory_space<vmem>>) target_semaphore(%run_scoped3A : memref<!tpu.dma_semaphore, #tpu.memory_space<semaphore_mem>>)
        %dma_wait3A_22 = tpu.memref_slice %arg3[%add3A_14] : memref<640000xi32, #tpu.memory_space<hbm>> -> memref<80xi32, #tpu.memory_space<hbm>>
        %dma_wait3A_23 = tpu.memref_slice %arg3[%add3A_14] : memref<640000xi32, #tpu.memory_space<hbm>> -> memref<80xi32, #tpu.memory_space<hbm>>
        tpu.wait_dma2 semaphore(%run_scoped3A : memref<!tpu.dma_semaphore, #tpu.memory_space<semaphore_mem>>) src(%dma_wait3A_23 : memref<80xi32, #tpu.memory_space<hbm>>) dst(%arg7 : memref<80xi32, #tpu.memory_space<vmem>>)
        tpu.yield
      }) : () -> ()
      %add3A_15 = arith.addi %mul3A_2, %mul3A_13 : i32
      "tpu.region"() ({
        %run_scoped3A = tpu.sem_alloc : memref<!tpu.dma_semaphore, #tpu.memory_space<semaphore_mem>>
        %dma_start3A_20 = tpu.memref_slice %arg4[%add3A_15] : memref<320000xi32, #tpu.memory_space<hbm>> -> memref<80xi32, #tpu.memory_space<hbm>>
        %dma_start3A_21 = tpu.memref_slice %arg4[%add3A_15] : memref<320000xi32, #tpu.memory_space<hbm>> -> memref<80xi32, #tpu.memory_space<hbm>>
        tpu.enqueue_dma source(%dma_start3A_21 : memref<80xi32, #tpu.memory_space<hbm>>) target(%arg8 : memref<80xi32, #tpu.memory_space<vmem>>) target_semaphore(%run_scoped3A : memref<!tpu.dma_semaphore, #tpu.memory_space<semaphore_mem>>)
        %dma_wait3A_22 = tpu.memref_slice %arg4[%add3A_15] : memref<320000xi32, #tpu.memory_space<hbm>> -> memref<80xi32, #tpu.memory_space<hbm>>
        %dma_wait3A_23 = tpu.memref_slice %arg4[%add3A_15] : memref<320000xi32, #tpu.memory_space<hbm>> -> memref<80xi32, #tpu.memory_space<hbm>>
        tpu.wait_dma2 semaphore(%run_scoped3A : memref<!tpu.dma_semaphore, #tpu.memory_space<semaphore_mem>>) src(%dma_wait3A_23 : memref<80xi32, #tpu.memory_space<hbm>>) dst(%arg8 : memref<80xi32, #tpu.memory_space<vmem>>)
        tpu.yield
      }) : () -> ()
      %dma_start3A = arith.constant 0 : i32
      %dma_start3A_16 = arith.constant 0 : i32
      %dma_start3A_17 = tpu.memref_slice %arg2[%dma_start3A, %dma_start3A_16] : memref<20000x128xf32, #tpu.memory_space<hbm>> -> memref<20000x128xf32, #tpu.memory_space<hbm>>
      tpu.enqueue_indirect_dma source(%dma_start3A_17 : memref<20000x128xf32, #tpu.memory_space<hbm>>) target(%arg9 : memref<80x128xf32, #tpu.memory_space<vmem>>) offsets(%arg7 : memref<80xi32, #tpu.memory_space<vmem>>) semaphore(%arg11 : memref<!tpu.dma_semaphore, #tpu.memory_space<semaphore_mem>>)
      %dma_wait3A = arith.constant 0 : i32
      %dma_wait3A_18 = arith.constant 0 : i32
      %dma_wait3A_19 = tpu.memref_slice %arg2[%dma_wait3A, %dma_wait3A_18] : memref<20000x128xf32, #tpu.memory_space<hbm>> -> memref<20000x128xf32, #tpu.memory_space<hbm>>
      tpu.wait_indirect_dma semaphore(%arg11 : memref<!tpu.dma_semaphore, #tpu.memory_space<semaphore_mem>>) src(%dma_wait3A_19 : memref<20000x128xf32, #tpu.memory_space<hbm>>) dst(%arg9 : memref<80x128xf32, #tpu.memory_space<vmem>>)
      "tpu.region"() ({
        %run_scoped3A = tpu.sem_alloc : memref<!tpu.dma_semaphore, #tpu.memory_space<semaphore_mem>>
        %dma_start3A_20 = arith.constant 0 : i32
        %dma_start3A_21 = arith.constant 0 : i32
        %dma_start3A_22 = tpu.memref_slice %arg10[%dma_start3A_20, %dma_start3A_21] : memref<10240x128xf32, #tpu.memory_space<vmem_shared>> -> memref<10240x128xf32, #tpu.memory_space<vmem_shared>>
        tpu.enqueue_indirect_dma source(%arg9 : memref<80x128xf32, #tpu.memory_space<vmem>>) target(%dma_start3A_22 : memref<10240x128xf32, #tpu.memory_space<vmem_shared>>) offsets(%arg8 : memref<80xi32, #tpu.memory_space<vmem>>) semaphore(%run_scoped3A : memref<!tpu.dma_semaphore, #tpu.memory_space<semaphore_mem>>) {add = true}
        %dma_wait3A_23 = arith.constant 0 : i32
        %dma_wait3A_24 = arith.constant 0 : i32
        %dma_wait3A_25 = tpu.memref_slice %arg10[%dma_wait3A_23, %dma_wait3A_24] : memref<10240x128xf32, #tpu.memory_space<vmem_shared>> -> memref<10240x128xf32, #tpu.memory_space<vmem_shared>>
        tpu.wait_indirect_dma semaphore(%run_scoped3A : memref<!tpu.dma_semaphore, #tpu.memory_space<semaphore_mem>>) src(%arg9 : memref<80x128xf32, #tpu.memory_space<vmem>>) dst(%dma_wait3A_25 : memref<10240x128xf32, #tpu.memory_space<vmem_shared>>)
        tpu.yield
      }) : () -> ()
    }
    %scan3A_9 = arith.constant 250 : i32
    %barrier3A_10 = arith.constant 0 : index
    tpu.barrier barrier_id(%barrier3A_10)
    "tpu.region"() ({
      %run_scoped3A = tpu.sem_alloc : memref<!tpu.dma_semaphore, #tpu.memory_space<semaphore_mem>>
      %dma_start3A = arith.constant 0 : i32
      %dma_start3A_11 = arith.constant 0 : i32
      %dma_start3A_12 = tpu.memref_slice %arg6[%arg0, %dma_start3A, %dma_start3A_11] : memref<2x10240x128xf32, #tpu.memory_space<hbm>> -> memref<1x10240x128xf32, #tpu.memory_space<hbm>>
      %dma_start3A_13 = tpu.memref_squeeze %dma_start3A_12 : memref<1x10240x128xf32, #tpu.memory_space<hbm>> -> memref<10240x128xf32, #tpu.memory_space<hbm>>
      %dma_start3A_14 = arith.constant 0 : i32
      %dma_start3A_15 = tpu.memref_slice %dma_start3A_13[%mul3A_0, %dma_start3A_14] : memref<10240x128xf32, #tpu.memory_space<hbm>> -> memref<640x128xf32, #tpu.memory_space<hbm>>
      %dma_start3A_16 = arith.constant 0 : i32
      %dma_start3A_17 = tpu.memref_slice %arg10[%mul3A_0, %dma_start3A_16] : memref<10240x128xf32, #tpu.memory_space<vmem_shared>> -> memref<640x128xf32, #tpu.memory_space<vmem_shared>>
      tpu.enqueue_dma source(%dma_start3A_17 : memref<640x128xf32, #tpu.memory_space<vmem_shared>>) target(%dma_start3A_15 : memref<640x128xf32, #tpu.memory_space<hbm>>) target_semaphore(%run_scoped3A : memref<!tpu.dma_semaphore, #tpu.memory_space<semaphore_mem>>)
      %dma_wait3A = arith.constant 0 : i32
      %dma_wait3A_18 = arith.constant 0 : i32
      %dma_wait3A_19 = tpu.memref_slice %arg6[%arg0, %dma_wait3A, %dma_wait3A_18] : memref<2x10240x128xf32, #tpu.memory_space<hbm>> -> memref<1x10240x128xf32, #tpu.memory_space<hbm>>
      %dma_wait3A_20 = tpu.memref_squeeze %dma_wait3A_19 : memref<1x10240x128xf32, #tpu.memory_space<hbm>> -> memref<10240x128xf32, #tpu.memory_space<hbm>>
      %dma_wait3A_21 = arith.constant 0 : i32
      %dma_wait3A_22 = tpu.memref_slice %dma_wait3A_20[%mul3A_0, %dma_wait3A_21] : memref<10240x128xf32, #tpu.memory_space<hbm>> -> memref<640x128xf32, #tpu.memory_space<hbm>>
      %dma_wait3A_23 = arith.constant 0 : i32
      %dma_wait3A_24 = tpu.memref_slice %arg10[%mul3A_0, %dma_wait3A_23] : memref<10240x128xf32, #tpu.memory_space<vmem_shared>> -> memref<640x128xf32, #tpu.memory_space<vmem_shared>>
      tpu.wait_dma2 semaphore(%run_scoped3A : memref<!tpu.dma_semaphore, #tpu.memory_space<semaphore_mem>>) src(%dma_wait3A_24 : memref<640x128xf32, #tpu.memory_space<vmem_shared>>) dst(%dma_wait3A_22 : memref<640x128xf32, #tpu.memory_space<hbm>>)
      tpu.yield
    }) : () -> ()
    return
  }
}

#map = affine_map<(d0, d1) -> (0, 0)>
#map1 = affine_map<(d0, d1) -> (0)>
#map2 = affine_map<(d0, d1) -> (0, 0, 0)>
module attributes {stable_mosaic.version = 14 : i64} {
  func.func @sc_kernel(%arg0: i32, %arg1: i32, %arg2: memref<20000x128xf32, #tpu.memory_space<hbm>>, %arg3: memref<640000xi32, #tpu.memory_space<hbm>>, %arg4: memref<320000xi32, #tpu.memory_space<hbm>>, %arg5: memref<10240x128xf32, #tpu.memory_space<hbm>>, %arg6: memref<2x10240x128xf32, #tpu.memory_space<hbm>>, %arg7: memref<80xi32, #tpu.memory_space<vmem>>, %arg8: memref<80xi32, #tpu.memory_space<vmem>>, %arg9: memref<80x128xf32, #tpu.memory_space<vmem>>, %arg10: memref<10240x128xf32, #tpu.memory_space<vmem_shared>>, %arg11: memref<!tpu.dma_semaphore, #tpu.memory_space<semaphore_mem>>) attributes {dimension_semantics = [#tpu.dimension_semantics<core_parallel>, #tpu.dimension_semantics<subcore_parallel>], iteration_bounds = array<i64: 2, 16>, scalar_prefetch = 0 : i64, scratch_operands = 5 : i64, tpu.core_type = #tpu.core_type<sc_vector_subcore>, window_params = [{transform_indices = #map}, {transform_indices = #map1}, {transform_indices = #map1}, {transform_indices = #map}, {transform_indices = #map2}]} {
    %mul3A = arith.constant 640 : i32
    %mul3A_0 = arith.muli %arg1, %mul3A : i32
    "tpu.region"() ({
      %run_scoped3A = tpu.sem_alloc : memref<!tpu.dma_semaphore, #tpu.memory_space<semaphore_mem>>
      %dma_start3A = arith.constant 0 : i32
      %dma_start3A_11 = tpu.memref_slice %arg10[%mul3A_0, %dma_start3A] : memref<10240x128xf32, #tpu.memory_space<vmem_shared>> -> memref<640x128xf32, #tpu.memory_space<vmem_shared>>
      %dma_start3A_12 = arith.constant 0 : i32
      %dma_start3A_13 = tpu.memref_slice %arg5[%mul3A_0, %dma_start3A_12] : memref<10240x128xf32, #tpu.memory_space<hbm>> -> memref<640x128xf32, #tpu.memory_space<hbm>>
      tpu.enqueue_dma source(%dma_start3A_13 : memref<640x128xf32, #tpu.memory_space<hbm>>) target(%dma_start3A_11 : memref<640x128xf32, #tpu.memory_space<vmem_shared>>) target_semaphore(%run_scoped3A : memref<!tpu.dma_semaphore, #tpu.memory_space<semaphore_mem>>)
      %dma_wait3A = arith.constant 0 : i32
      %dma_wait3A_14 = tpu.memref_slice %arg10[%mul3A_0, %dma_wait3A] : memref<10240x128xf32, #tpu.memory_space<vmem_shared>> -> memref<640x128xf32, #tpu.memory_space<vmem_shared>>
      %dma_wait3A_15 = arith.constant 0 : i32
      %dma_wait3A_16 = tpu.memref_slice %arg5[%mul3A_0, %dma_wait3A_15] : memref<10240x128xf32, #tpu.memory_space<hbm>> -> memref<640x128xf32, #tpu.memory_space<hbm>>
      tpu.wait_dma2 semaphore(%run_scoped3A : memref<!tpu.dma_semaphore, #tpu.memory_space<semaphore_mem>>) src(%dma_wait3A_16 : memref<640x128xf32, #tpu.memory_space<hbm>>) dst(%dma_wait3A_14 : memref<640x128xf32, #tpu.memory_space<vmem_shared>>)
      tpu.yield
    }) : () -> ()
    %barrier3A = arith.constant 0 : index
    tpu.barrier barrier_id(%barrier3A)
    %mul3A_1 = arith.constant 20000 : i32
    %mul3A_2 = arith.muli %arg1, %mul3A_1 : i32
    %mul3A_3 = arith.constant 320000 : i32
    %mul3A_4 = arith.muli %arg0, %mul3A_3 : i32
    %add3A = arith.addi %mul3A_4, %mul3A_2 : i32
    %scan3A = arith.constant 0 : i32
    %scan3A_5 = arith.constant 0 : i32
    %scan3A_6 = arith.constant 250 : i32
    %scan3A_7 = arith.addi %scan3A_5, %scan3A_6 : i32
    %scan3A_8 = arith.constant 1 : i32
    scf.for %scan3A_11 = %scan3A_5 to %scan3A_7 step %scan3A_8  : i32 {
      %mul3A_12 = arith.constant 80 : i32
      %mul3A_13 = arith.muli %scan3A_11, %mul3A_12 : i32
      %add3A_14 = arith.addi %add3A, %mul3A_13 : i32
      "tpu.region"() ({
        %run_scoped3A = tpu.sem_alloc : memref<!tpu.dma_semaphore, #tpu.memory_space<semaphore_mem>>
        %dma_start3A_20 = tpu.memref_slice %arg3[%add3A_14] : memref<640000xi32, #tpu.memory_space<hbm>> -> memref<80xi32, #tpu.memory_space<hbm>>
        %dma_start3A_21 = tpu.memref_slice %arg3[%add3A_14] : memref<640000xi32, #tpu.memory_space<hbm>> -> memref<80xi32, #tpu.memory_space<hbm>>
        tpu.enqueue_dma source(%dma_start3A_21 : memref<80xi32, #tpu.memory_space<hbm>>) target(%arg7 : memref<80xi32, #tpu.memory_space<vmem>>) target_semaphore(%run_scoped3A : memref<!tpu.dma_semaphore, #tpu.memory_space<semaphore_mem>>)
        %dma_wait3A_22 = tpu.memref_slice %arg3[%add3A_14] : memref<640000xi32, #tpu.memory_space<hbm>> -> memref<80xi32, #tpu.memory_space<hbm>>
        %dma_wait3A_23 = tpu.memref_slice %arg3[%add3A_14] : memref<640000xi32, #tpu.memory_space<hbm>> -> memref<80xi32, #tpu.memory_space<hbm>>
        tpu.wait_dma2 semaphore(%run_scoped3A : memref<!tpu.dma_semaphore, #tpu.memory_space<semaphore_mem>>) src(%dma_wait3A_23 : memref<80xi32, #tpu.memory_space<hbm>>) dst(%arg7 : memref<80xi32, #tpu.memory_space<vmem>>)
        tpu.yield
      }) : () -> ()
      %add3A_15 = arith.addi %mul3A_2, %mul3A_13 : i32
      "tpu.region"() ({
        %run_scoped3A = tpu.sem_alloc : memref<!tpu.dma_semaphore, #tpu.memory_space<semaphore_mem>>
        %dma_start3A_20 = tpu.memref_slice %arg4[%add3A_15] : memref<320000xi32, #tpu.memory_space<hbm>> -> memref<80xi32, #tpu.memory_space<hbm>>
        %dma_start3A_21 = tpu.memref_slice %arg4[%add3A_15] : memref<320000xi32, #tpu.memory_space<hbm>> -> memref<80xi32, #tpu.memory_space<hbm>>
        tpu.enqueue_dma source(%dma_start3A_21 : memref<80xi32, #tpu.memory_space<hbm>>) target(%arg8 : memref<80xi32, #tpu.memory_space<vmem>>) target_semaphore(%run_scoped3A : memref<!tpu.dma_semaphore, #tpu.memory_space<semaphore_mem>>)
        %dma_wait3A_22 = tpu.memref_slice %arg4[%add3A_15] : memref<320000xi32, #tpu.memory_space<hbm>> -> memref<80xi32, #tpu.memory_space<hbm>>
        %dma_wait3A_23 = tpu.memref_slice %arg4[%add3A_15] : memref<320000xi32, #tpu.memory_space<hbm>> -> memref<80xi32, #tpu.memory_space<hbm>>
        tpu.wait_dma2 semaphore(%run_scoped3A : memref<!tpu.dma_semaphore, #tpu.memory_space<semaphore_mem>>) src(%dma_wait3A_23 : memref<80xi32, #tpu.memory_space<hbm>>) dst(%arg8 : memref<80xi32, #tpu.memory_space<vmem>>)
        tpu.yield
      }) : () -> ()
      %dma_start3A = arith.constant 0 : i32
      %dma_start3A_16 = arith.constant 0 : i32
      %dma_start3A_17 = tpu.memref_slice %arg2[%dma_start3A, %dma_start3A_16] : memref<20000x128xf32, #tpu.memory_space<hbm>> -> memref<20000x128xf32, #tpu.memory_space<hbm>>
      tpu.enqueue_indirect_dma source(%dma_start3A_17 : memref<20000x128xf32, #tpu.memory_space<hbm>>) target(%arg9 : memref<80x128xf32, #tpu.memory_space<vmem>>) offsets(%arg7 : memref<80xi32, #tpu.memory_space<vmem>>) semaphore(%arg11 : memref<!tpu.dma_semaphore, #tpu.memory_space<semaphore_mem>>)
      %dma_wait3A = arith.constant 0 : i32
      %dma_wait3A_18 = arith.constant 0 : i32
      %dma_wait3A_19 = tpu.memref_slice %arg2[%dma_wait3A, %dma_wait3A_18] : memref<20000x128xf32, #tpu.memory_space<hbm>> -> memref<20000x128xf32, #tpu.memory_space<hbm>>
      tpu.wait_indirect_dma semaphore(%arg11 : memref<!tpu.dma_semaphore, #tpu.memory_space<semaphore_mem>>) src(%dma_wait3A_19 : memref<20000x128xf32, #tpu.memory_space<hbm>>) dst(%arg9 : memref<80x128xf32, #tpu.memory_space<vmem>>)
      "tpu.region"() ({
        %run_scoped3A = tpu.sem_alloc : memref<!tpu.dma_semaphore, #tpu.memory_space<semaphore_mem>>
        %dma_start3A_20 = arith.constant 0 : i32
        %dma_start3A_21 = arith.constant 0 : i32
        %dma_start3A_22 = tpu.memref_slice %arg10[%dma_start3A_20, %dma_start3A_21] : memref<10240x128xf32, #tpu.memory_space<vmem_shared>> -> memref<10240x128xf32, #tpu.memory_space<vmem_shared>>
        tpu.enqueue_indirect_dma source(%arg9 : memref<80x128xf32, #tpu.memory_space<vmem>>) target(%dma_start3A_22 : memref<10240x128xf32, #tpu.memory_space<vmem_shared>>) offsets(%arg8 : memref<80xi32, #tpu.memory_space<vmem>>) semaphore(%run_scoped3A : memref<!tpu.dma_semaphore, #tpu.memory_space<semaphore_mem>>) {add = true}
        %dma_wait3A_23 = arith.constant 0 : i32
        %dma_wait3A_24 = arith.constant 0 : i32
        %dma_wait3A_25 = tpu.memref_slice %arg10[%dma_wait3A_23, %dma_wait3A_24] : memref<10240x128xf32, #tpu.memory_space<vmem_shared>> -> memref<10240x128xf32, #tpu.memory_space<vmem_shared>>
        tpu.wait_indirect_dma semaphore(%run_scoped3A : memref<!tpu.dma_semaphore, #tpu.memory_space<semaphore_mem>>) src(%arg9 : memref<80x128xf32, #tpu.memory_space<vmem>>) dst(%dma_wait3A_25 : memref<10240x128xf32, #tpu.memory_space<vmem_shared>>)
        tpu.yield
      }) : () -> ()
    }
    %scan3A_9 = arith.constant 250 : i32
    %barrier3A_10 = arith.constant 0 : index
    tpu.barrier barrier_id(%barrier3A_10)
    "tpu.region"() ({
      %run_scoped3A = tpu.sem_alloc : memref<!tpu.dma_semaphore, #tpu.memory_space<semaphore_mem>>
      %dma_start3A = arith.constant 0 : i32
      %dma_start3A_11 = arith.constant 0 : i32
      %dma_start3A_12 = tpu.memref_slice %arg6[%arg0, %dma_start3A, %dma_start3A_11] : memref<2x10240x128xf32, #tpu.memory_space<hbm>> -> memref<1x10240x128xf32, #tpu.memory_space<hbm>>
      %dma_start3A_13 = tpu.memref_squeeze %dma_start3A_12 : memref<1x10240x128xf32, #tpu.memory_space<hbm>> -> memref<10240x128xf32, #tpu.memory_space<hbm>>
      %dma_start3A_14 = arith.constant 0 : i32
      %dma_start3A_15 = tpu.memref_slice %dma_start3A_13[%mul3A_0, %dma_start3A_14] : memref<10240x128xf32, #tpu.memory_space<hbm>> -> memref<640x128xf32, #tpu.memory_space<hbm>>
      %dma_start3A_16 = arith.constant 0 : i32
      %dma_start3A_17 = tpu.memref_slice %arg10[%mul3A_0, %dma_start3A_16] : memref<10240x128xf32, #tpu.memory_space<vmem_shared>> -> memref<640x128xf32, #tpu.memory_space<vmem_shared>>
      tpu.enqueue_dma source(%dma_start3A_17 : memref<640x128xf32, #tpu.memory_space<vmem_shared>>) target(%dma_start3A_15 : memref<640x128xf32, #tpu.memory_space<hbm>>) target_semaphore(%run_scoped3A : memref<!tpu.dma_semaphore, #tpu.memory_space<semaphore_mem>>)
      %dma_wait3A = arith.constant 0 : i32
      %dma_wait3A_18 = arith.constant 0 : i32
      %dma_wait3A_19 = tpu.memref_slice %arg6[%arg0, %dma_wait3A, %dma_wait3A_18] : memref<2x10240x128xf32, #tpu.memory_space<hbm>> -> memref<1x10240x128xf32, #tpu.memory_space<hbm>>
      %dma_wait3A_20 = tpu.memref_squeeze %dma_wait3A_19 : memref<1x10240x128xf32, #tpu.memory_space<hbm>> -> memref<10240x128xf32, #tpu.memory_space<hbm>>
      %dma_wait3A_21 = arith.constant 0 : i32
      %dma_wait3A_22 = tpu.memref_slice %dma_wait3A_20[%mul3A_0, %dma_wait3A_21] : memref<10240x128xf32, #tpu.memory_space<hbm>> -> memref<640x128xf32, #tpu.memory_space<hbm>>
      %dma_wait3A_23 = arith.constant 0 : i32
      %dma_wait3A_24 = tpu.memref_slice %arg10[%mul3A_0, %dma_wait3A_23] : memref<10240x128xf32, #tpu.memory_space<vmem_shared>> -> memref<640x128xf32, #tpu.memory_space<vmem_shared>>
      tpu.wait_dma2 semaphore(%run_scoped3A : memref<!tpu.dma_semaphore, #tpu.memory_space<semaphore_mem>>) src(%dma_wait3A_24 : memref<640x128xf32, #tpu.memory_space<vmem_shared>>) dst(%dma_wait3A_22 : memref<640x128xf32, #tpu.memory_space<hbm>>)
      tpu.yield
    }) : () -> ()
    return
  }
}

module attributes {stable_mosaic.version = 14 : i64} {
  func.func @_dense_body(%arg0: memref<1x1xf32, #tpu.memory_space<smem>>, %arg1: memref<10000x128xf32, #tpu.memory_space<vmem>>, %arg2: memref<2x10240x128xf32, #tpu.memory_space<vmem>>, %arg3: memref<128x256xf32, #tpu.memory_space<vmem>>, %arg4: memref<1x256xf32, #tpu.memory_space<vmem>>, %arg5: memref<1x256xf32, #tpu.memory_space<vmem>>, %arg6: memref<1x256xf32, #tpu.memory_space<vmem>>, %arg7: memref<256x256xf32, #tpu.memory_space<vmem>>, %arg8: memref<1x256xf32, #tpu.memory_space<vmem>>, %arg9: memref<1x256xf32, #tpu.memory_space<vmem>>, %arg10: memref<1x256xf32, #tpu.memory_space<vmem>>, %arg11: memref<10000x256xf32, #tpu.memory_space<vmem>>) attributes {dimension_semantics = [], scalar_prefetch = 0 : i64, scratch_operands = 0 : i64, tpu.core_type = #tpu.core_type<tc>} {
    %get3A = arith.constant 0 : index
    %get3A_0 = arith.constant 0 : index
    %get3A_1 = arith.constant 0 : index
    %get3A_2 = vector.load %arg2[%get3A, %get3A_0, %get3A_1] : memref<2x10240x128xf32, #tpu.memory_space<vmem>>, vector<1x10000x128xf32>
    %get3A_3 = vector.shape_cast %get3A_2 : vector<1x10000x128xf32> to vector<10000x128xf32>
    %get3A_4 = arith.constant 1 : index
    %get3A_5 = arith.constant 0 : index
    %get3A_6 = arith.constant 0 : index
    %get3A_7 = vector.load %arg2[%get3A_4, %get3A_5, %get3A_6] : memref<2x10240x128xf32, #tpu.memory_space<vmem>>, vector<1x10000x128xf32>
    %get3A_8 = vector.shape_cast %get3A_7 : vector<1x10000x128xf32> to vector<10000x128xf32>
    %add3A = arith.addf %get3A_3, %get3A_8 : vector<10000x128xf32>
    %get3A_9 = arith.constant 0 : index
    %get3A_10 = arith.constant 0 : index
    %get3A_11 = vector.load %arg1[%get3A_9, %get3A_10] : memref<10000x128xf32, #tpu.memory_space<vmem>>, vector<10000x128xf32>
    %get3A_12 = arith.constant 0 : index
    %get3A_13 = arith.constant 0 : index
    %get3A_14 = memref.load %arg0[%get3A_12, %get3A_13] : memref<1x1xf32, #tpu.memory_space<smem>>
    %add3A_15 = arith.constant 1.000000e+00 : f32
    %add3A_16 = arith.addf %add3A_15, %get3A_14 : f32
    %mul3A = vector.broadcast %add3A_16 : f32 to vector<10000x128xf32>
    %mul3A_17 = arith.mulf %get3A_11, %mul3A : vector<10000x128xf32>
    %add3A_18 = arith.addf %mul3A_17, %add3A : vector<10000x128xf32>
    %get3A_19 = arith.constant 0 : index
    %get3A_20 = arith.constant 0 : index
    %get3A_21 = vector.load %arg3[%get3A_19, %get3A_20] : memref<128x256xf32, #tpu.memory_space<vmem>>, vector<128x256xf32>
    %dot_general3A = arith.constant dense<0.000000e+00> : vector<10000x256xf32>
    %dot_general3A_22 = tpu.matmul %add3A_18, %get3A_21, %dot_general3A {dimension_numbers = #tpu.dot_dimension_numbers<[1], [0], [0], [1], [0, 0, 1, 1], [], []>, transpose_lhs_hint = false} : vector<10000x128xf32>, vector<128x256xf32>, vector<10000x256xf32> -> vector<10000x256xf32>
    %get3A_23 = arith.constant 0 : index
    %get3A_24 = arith.constant 0 : index
    %get3A_25 = vector.load %arg4[%get3A_23, %get3A_24] : memref<1x256xf32, #tpu.memory_space<vmem>>, vector<1x256xf32>
    %add3A_26 = vector.broadcast %get3A_25 : vector<1x256xf32> to vector<10000x256xf32>
    %add3A_27 = arith.addf %dot_general3A_22, %add3A_26 : vector<10000x256xf32>
    %get3A_28 = arith.constant 0 : index
    %get3A_29 = arith.constant 0 : index
    %get3A_30 = vector.load %arg5[%get3A_28, %get3A_29] : memref<1x256xf32, #tpu.memory_space<vmem>>, vector<1x256xf32>
    %get3A_31 = arith.constant 0 : index
    %get3A_32 = arith.constant 0 : index
    %get3A_33 = vector.load %arg6[%get3A_31, %get3A_32] : memref<1x256xf32, #tpu.memory_space<vmem>>, vector<1x256xf32>
    %reduce_sum3A = arith.constant dense<0.000000e+00> : vector<256xf32>
    %reduce_sum3A_34 = vector.multi_reduction <add>, %add3A_27, %reduce_sum3A [0] : vector<10000x256xf32> to vector<256xf32>
    %broadcast_in_dim3A = vector.shape_cast %reduce_sum3A_34 : vector<256xf32> to vector<1x256xf32>
    %div3A = arith.constant 1.000000e+04 : f32
    %div3A_35 = vector.broadcast %div3A : f32 to vector<1x256xf32>
    %div3A_36 = arith.divf %broadcast_in_dim3A, %div3A_35 : vector<1x256xf32>
    %sub3A = vector.broadcast %div3A_36 : vector<1x256xf32> to vector<10000x256xf32>
    %sub3A_37 = arith.subf %add3A_27, %sub3A : vector<10000x256xf32>
    %mul3A_38 = arith.mulf %sub3A_37, %sub3A_37 : vector<10000x256xf32>
    %reduce_sum3A_39 = arith.constant dense<0.000000e+00> : vector<256xf32>
    %reduce_sum3A_40 = vector.multi_reduction <add>, %mul3A_38, %reduce_sum3A_39 [0] : vector<10000x256xf32> to vector<256xf32>
    %broadcast_in_dim3A_41 = vector.shape_cast %reduce_sum3A_40 : vector<256xf32> to vector<1x256xf32>
    %div3A_42 = arith.constant 1.000000e+04 : f32
    %div3A_43 = vector.broadcast %div3A_42 : f32 to vector<1x256xf32>
    %div3A_44 = arith.divf %broadcast_in_dim3A_41, %div3A_43 : vector<1x256xf32>
    %add3A_45 = arith.constant 9.99999974E-6 : f32
    %add3A_46 = vector.broadcast %add3A_45 : f32 to vector<1x256xf32>
    %add3A_47 = arith.addf %div3A_44, %add3A_46 : vector<1x256xf32>
    %sqrt3A = math.sqrt %add3A_47 : vector<1x256xf32>
    %div3A_48 = vector.broadcast %sqrt3A : vector<1x256xf32> to vector<10000x256xf32>
    %div3A_49 = arith.divf %sub3A_37, %div3A_48 : vector<10000x256xf32>
    %mul3A_50 = vector.broadcast %get3A_30 : vector<1x256xf32> to vector<10000x256xf32>
    %mul3A_51 = arith.mulf %div3A_49, %mul3A_50 : vector<10000x256xf32>
    %add3A_52 = vector.broadcast %get3A_33 : vector<1x256xf32> to vector<10000x256xf32>
    %add3A_53 = arith.addf %mul3A_51, %add3A_52 : vector<10000x256xf32>
    %max3A = arith.constant 0.000000e+00 : f32
    %max3A_54 = vector.broadcast %max3A : f32 to vector<10000x256xf32>
    %max3A_55 = arith.maximumf %add3A_53, %max3A_54 : vector<10000x256xf32>
    %get3A_56 = arith.constant 0 : index
    %get3A_57 = arith.constant 0 : index
    %get3A_58 = vector.load %arg7[%get3A_56, %get3A_57] : memref<256x256xf32, #tpu.memory_space<vmem>>, vector<256x256xf32>
    %dot_general3A_59 = arith.constant dense<0.000000e+00> : vector<10000x256xf32>
    %dot_general3A_60 = tpu.matmul %max3A_55, %get3A_58, %dot_general3A_59 {dimension_numbers = #tpu.dot_dimension_numbers<[1], [0], [0], [1], [0, 0, 1, 1], [], []>, transpose_lhs_hint = false} : vector<10000x256xf32>, vector<256x256xf32>, vector<10000x256xf32> -> vector<10000x256xf32>
    %get3A_61 = arith.constant 0 : index
    %get3A_62 = arith.constant 0 : index
    %get3A_63 = vector.load %arg8[%get3A_61, %get3A_62] : memref<1x256xf32, #tpu.memory_space<vmem>>, vector<1x256xf32>
    %add3A_64 = vector.broadcast %get3A_63 : vector<1x256xf32> to vector<10000x256xf32>
    %add3A_65 = arith.addf %dot_general3A_60, %add3A_64 : vector<10000x256xf32>
    %get3A_66 = arith.constant 0 : index
    %get3A_67 = arith.constant 0 : index
    %get3A_68 = vector.load %arg9[%get3A_66, %get3A_67] : memref<1x256xf32, #tpu.memory_space<vmem>>, vector<1x256xf32>
    %get3A_69 = arith.constant 0 : index
    %get3A_70 = arith.constant 0 : index
    %get3A_71 = vector.load %arg10[%get3A_69, %get3A_70] : memref<1x256xf32, #tpu.memory_space<vmem>>, vector<1x256xf32>
    %reduce_sum3A_72 = arith.constant dense<0.000000e+00> : vector<256xf32>
    %reduce_sum3A_73 = vector.multi_reduction <add>, %add3A_65, %reduce_sum3A_72 [0] : vector<10000x256xf32> to vector<256xf32>
    %broadcast_in_dim3A_74 = vector.shape_cast %reduce_sum3A_73 : vector<256xf32> to vector<1x256xf32>
    %div3A_75 = arith.constant 1.000000e+04 : f32
    %div3A_76 = vector.broadcast %div3A_75 : f32 to vector<1x256xf32>
    %div3A_77 = arith.divf %broadcast_in_dim3A_74, %div3A_76 : vector<1x256xf32>
    %sub3A_78 = vector.broadcast %div3A_77 : vector<1x256xf32> to vector<10000x256xf32>
    %sub3A_79 = arith.subf %add3A_65, %sub3A_78 : vector<10000x256xf32>
    %mul3A_80 = arith.mulf %sub3A_79, %sub3A_79 : vector<10000x256xf32>
    %reduce_sum3A_81 = arith.constant dense<0.000000e+00> : vector<256xf32>
    %reduce_sum3A_82 = vector.multi_reduction <add>, %mul3A_80, %reduce_sum3A_81 [0] : vector<10000x256xf32> to vector<256xf32>
    %broadcast_in_dim3A_83 = vector.shape_cast %reduce_sum3A_82 : vector<256xf32> to vector<1x256xf32>
    %div3A_84 = arith.constant 1.000000e+04 : f32
    %div3A_85 = vector.broadcast %div3A_84 : f32 to vector<1x256xf32>
    %div3A_86 = arith.divf %broadcast_in_dim3A_83, %div3A_85 : vector<1x256xf32>
    %add3A_87 = arith.constant 9.99999974E-6 : f32
    %add3A_88 = vector.broadcast %add3A_87 : f32 to vector<1x256xf32>
    %add3A_89 = arith.addf %div3A_86, %add3A_88 : vector<1x256xf32>
    %sqrt3A_90 = math.sqrt %add3A_89 : vector<1x256xf32>
    %div3A_91 = vector.broadcast %sqrt3A_90 : vector<1x256xf32> to vector<10000x256xf32>
    %div3A_92 = arith.divf %sub3A_79, %div3A_91 : vector<10000x256xf32>
    %mul3A_93 = vector.broadcast %get3A_68 : vector<1x256xf32> to vector<10000x256xf32>
    %mul3A_94 = arith.mulf %div3A_92, %mul3A_93 : vector<10000x256xf32>
    %add3A_95 = vector.broadcast %get3A_71 : vector<1x256xf32> to vector<10000x256xf32>
    %add3A_96 = arith.addf %mul3A_94, %add3A_95 : vector<10000x256xf32>
    %max3A_97 = arith.constant 0.000000e+00 : f32
    %max3A_98 = vector.broadcast %max3A_97 : f32 to vector<10000x256xf32>
    %max3A_99 = arith.maximumf %add3A_96, %max3A_98 : vector<10000x256xf32>
    %swap3A = arith.constant 0 : index
    %swap3A_100 = arith.constant 0 : index
    %swap3A_101 = vector.load %arg11[%swap3A, %swap3A_100] : memref<10000x256xf32, #tpu.memory_space<vmem>>, vector<10000x256xf32>
    tpu.vector_store %arg11[%swap3A, %swap3A_100], %max3A_99 {strides = array<i32>} : memref<10000x256xf32, #tpu.memory_space<vmem>>, vector<10000x256xf32>,
    return
  }
}

module attributes {stable_mosaic.version = 14 : i64} {
  func.func @_dense_body(%arg0: memref<1x1xf32, #tpu.memory_space<smem>>, %arg1: memref<10000x256xf32, #tpu.memory_space<vmem>>, %arg2: memref<2x10240x128xf32, #tpu.memory_space<vmem>>, %arg3: memref<256x256xf32, #tpu.memory_space<vmem>>, %arg4: memref<1x256xf32, #tpu.memory_space<vmem>>, %arg5: memref<1x256xf32, #tpu.memory_space<vmem>>, %arg6: memref<1x256xf32, #tpu.memory_space<vmem>>, %arg7: memref<256x256xf32, #tpu.memory_space<vmem>>, %arg8: memref<1x256xf32, #tpu.memory_space<vmem>>, %arg9: memref<1x256xf32, #tpu.memory_space<vmem>>, %arg10: memref<1x256xf32, #tpu.memory_space<vmem>>, %arg11: memref<10000x256xf32, #tpu.memory_space<vmem>>) attributes {dimension_semantics = [], scalar_prefetch = 0 : i64, scratch_operands = 0 : i64, tpu.core_type = #tpu.core_type<tc>} {
    %get3A = arith.constant 0 : index
    %get3A_0 = arith.constant 0 : index
    %get3A_1 = arith.constant 0 : index
    %get3A_2 = vector.load %arg2[%get3A, %get3A_0, %get3A_1] : memref<2x10240x128xf32, #tpu.memory_space<vmem>>, vector<1x10000x128xf32>
    %get3A_3 = vector.shape_cast %get3A_2 : vector<1x10000x128xf32> to vector<10000x128xf32>
    %get3A_4 = arith.constant 1 : index
    %get3A_5 = arith.constant 0 : index
    %get3A_6 = arith.constant 0 : index
    %get3A_7 = vector.load %arg2[%get3A_4, %get3A_5, %get3A_6] : memref<2x10240x128xf32, #tpu.memory_space<vmem>>, vector<1x10000x128xf32>
    %get3A_8 = vector.shape_cast %get3A_7 : vector<1x10000x128xf32> to vector<10000x128xf32>
    %concatenate3A = tpu.concatenate %get3A_3, %get3A_8 in 1 : vector<10000x128xf32>, vector<10000x128xf32> -> vector<10000x256xf32>
    %get3A_9 = arith.constant 0 : index
    %get3A_10 = arith.constant 0 : index
    %get3A_11 = vector.load %arg1[%get3A_9, %get3A_10] : memref<10000x256xf32, #tpu.memory_space<vmem>>, vector<10000x256xf32>
    %get3A_12 = arith.constant 0 : index
    %get3A_13 = arith.constant 0 : index
    %get3A_14 = memref.load %arg0[%get3A_12, %get3A_13] : memref<1x1xf32, #tpu.memory_space<smem>>
    %add3A = arith.constant 1.000000e+00 : f32
    %add3A_15 = arith.addf %add3A, %get3A_14 : f32
    %mul3A = vector.broadcast %add3A_15 : f32 to vector<10000x256xf32>
    %mul3A_16 = arith.mulf %get3A_11, %mul3A : vector<10000x256xf32>
    %add3A_17 = arith.addf %mul3A_16, %concatenate3A : vector<10000x256xf32>
    %get3A_18 = arith.constant 0 : index
    %get3A_19 = arith.constant 0 : index
    %get3A_20 = vector.load %arg3[%get3A_18, %get3A_19] : memref<256x256xf32, #tpu.memory_space<vmem>>, vector<256x256xf32>
    %dot_general3A = arith.constant dense<0.000000e+00> : vector<10000x256xf32>
    %dot_general3A_21 = tpu.matmul %add3A_17, %get3A_20, %dot_general3A {dimension_numbers = #tpu.dot_dimension_numbers<[1], [0], [0], [1], [0, 0, 1, 1], [], []>, transpose_lhs_hint = false} : vector<10000x256xf32>, vector<256x256xf32>, vector<10000x256xf32> -> vector<10000x256xf32>
    %get3A_22 = arith.constant 0 : index
    %get3A_23 = arith.constant 0 : index
    %get3A_24 = vector.load %arg4[%get3A_22, %get3A_23] : memref<1x256xf32, #tpu.memory_space<vmem>>, vector<1x256xf32>
    %add3A_25 = vector.broadcast %get3A_24 : vector<1x256xf32> to vector<10000x256xf32>
    %add3A_26 = arith.addf %dot_general3A_21, %add3A_25 : vector<10000x256xf32>
    %get3A_27 = arith.constant 0 : index
    %get3A_28 = arith.constant 0 : index
    %get3A_29 = vector.load %arg5[%get3A_27, %get3A_28] : memref<1x256xf32, #tpu.memory_space<vmem>>, vector<1x256xf32>
    %get3A_30 = arith.constant 0 : index
    %get3A_31 = arith.constant 0 : index
    %get3A_32 = vector.load %arg6[%get3A_30, %get3A_31] : memref<1x256xf32, #tpu.memory_space<vmem>>, vector<1x256xf32>
    %reduce_sum3A = arith.constant dense<0.000000e+00> : vector<256xf32>
    %reduce_sum3A_33 = vector.multi_reduction <add>, %add3A_26, %reduce_sum3A [0] : vector<10000x256xf32> to vector<256xf32>
    %broadcast_in_dim3A = vector.shape_cast %reduce_sum3A_33 : vector<256xf32> to vector<1x256xf32>
    %div3A = arith.constant 1.000000e+04 : f32
    %div3A_34 = vector.broadcast %div3A : f32 to vector<1x256xf32>
    %div3A_35 = arith.divf %broadcast_in_dim3A, %div3A_34 : vector<1x256xf32>
    %sub3A = vector.broadcast %div3A_35 : vector<1x256xf32> to vector<10000x256xf32>
    %sub3A_36 = arith.subf %add3A_26, %sub3A : vector<10000x256xf32>
    %mul3A_37 = arith.mulf %sub3A_36, %sub3A_36 : vector<10000x256xf32>
    %reduce_sum3A_38 = arith.constant dense<0.000000e+00> : vector<256xf32>
    %reduce_sum3A_39 = vector.multi_reduction <add>, %mul3A_37, %reduce_sum3A_38 [0] : vector<10000x256xf32> to vector<256xf32>
    %broadcast_in_dim3A_40 = vector.shape_cast %reduce_sum3A_39 : vector<256xf32> to vector<1x256xf32>
    %div3A_41 = arith.constant 1.000000e+04 : f32
    %div3A_42 = vector.broadcast %div3A_41 : f32 to vector<1x256xf32>
    %div3A_43 = arith.divf %broadcast_in_dim3A_40, %div3A_42 : vector<1x256xf32>
    %add3A_44 = arith.constant 9.99999974E-6 : f32
    %add3A_45 = vector.broadcast %add3A_44 : f32 to vector<1x256xf32>
    %add3A_46 = arith.addf %div3A_43, %add3A_45 : vector<1x256xf32>
    %sqrt3A = math.sqrt %add3A_46 : vector<1x256xf32>
    %div3A_47 = vector.broadcast %sqrt3A : vector<1x256xf32> to vector<10000x256xf32>
    %div3A_48 = arith.divf %sub3A_36, %div3A_47 : vector<10000x256xf32>
    %mul3A_49 = vector.broadcast %get3A_29 : vector<1x256xf32> to vector<10000x256xf32>
    %mul3A_50 = arith.mulf %div3A_48, %mul3A_49 : vector<10000x256xf32>
    %add3A_51 = vector.broadcast %get3A_32 : vector<1x256xf32> to vector<10000x256xf32>
    %add3A_52 = arith.addf %mul3A_50, %add3A_51 : vector<10000x256xf32>
    %max3A = arith.constant 0.000000e+00 : f32
    %max3A_53 = vector.broadcast %max3A : f32 to vector<10000x256xf32>
    %max3A_54 = arith.maximumf %add3A_52, %max3A_53 : vector<10000x256xf32>
    %get3A_55 = arith.constant 0 : index
    %get3A_56 = arith.constant 0 : index
    %get3A_57 = vector.load %arg7[%get3A_55, %get3A_56] : memref<256x256xf32, #tpu.memory_space<vmem>>, vector<256x256xf32>
    %dot_general3A_58 = arith.constant dense<0.000000e+00> : vector<10000x256xf32>
    %dot_general3A_59 = tpu.matmul %max3A_54, %get3A_57, %dot_general3A_58 {dimension_numbers = #tpu.dot_dimension_numbers<[1], [0], [0], [1], [0, 0, 1, 1], [], []>, transpose_lhs_hint = false} : vector<10000x256xf32>, vector<256x256xf32>, vector<10000x256xf32> -> vector<10000x256xf32>
    %get3A_60 = arith.constant 0 : index
    %get3A_61 = arith.constant 0 : index
    %get3A_62 = vector.load %arg8[%get3A_60, %get3A_61] : memref<1x256xf32, #tpu.memory_space<vmem>>, vector<1x256xf32>
    %add3A_63 = vector.broadcast %get3A_62 : vector<1x256xf32> to vector<10000x256xf32>
    %add3A_64 = arith.addf %dot_general3A_59, %add3A_63 : vector<10000x256xf32>
    %get3A_65 = arith.constant 0 : index
    %get3A_66 = arith.constant 0 : index
    %get3A_67 = vector.load %arg9[%get3A_65, %get3A_66] : memref<1x256xf32, #tpu.memory_space<vmem>>, vector<1x256xf32>
    %get3A_68 = arith.constant 0 : index
    %get3A_69 = arith.constant 0 : index
    %get3A_70 = vector.load %arg10[%get3A_68, %get3A_69] : memref<1x256xf32, #tpu.memory_space<vmem>>, vector<1x256xf32>
    %reduce_sum3A_71 = arith.constant dense<0.000000e+00> : vector<256xf32>
    %reduce_sum3A_72 = vector.multi_reduction <add>, %add3A_64, %reduce_sum3A_71 [0] : vector<10000x256xf32> to vector<256xf32>
    %broadcast_in_dim3A_73 = vector.shape_cast %reduce_sum3A_72 : vector<256xf32> to vector<1x256xf32>
    %div3A_74 = arith.constant 1.000000e+04 : f32
    %div3A_75 = vector.broadcast %div3A_74 : f32 to vector<1x256xf32>
    %div3A_76 = arith.divf %broadcast_in_dim3A_73, %div3A_75 : vector<1x256xf32>
    %sub3A_77 = vector.broadcast %div3A_76 : vector<1x256xf32> to vector<10000x256xf32>
    %sub3A_78 = arith.subf %add3A_64, %sub3A_77 : vector<10000x256xf32>
    %mul3A_79 = arith.mulf %sub3A_78, %sub3A_78 : vector<10000x256xf32>
    %reduce_sum3A_80 = arith.constant dense<0.000000e+00> : vector<256xf32>
    %reduce_sum3A_81 = vector.multi_reduction <add>, %mul3A_79, %reduce_sum3A_80 [0] : vector<10000x256xf32> to vector<256xf32>
    %broadcast_in_dim3A_82 = vector.shape_cast %reduce_sum3A_81 : vector<256xf32> to vector<1x256xf32>
    %div3A_83 = arith.constant 1.000000e+04 : f32
    %div3A_84 = vector.broadcast %div3A_83 : f32 to vector<1x256xf32>
    %div3A_85 = arith.divf %broadcast_in_dim3A_82, %div3A_84 : vector<1x256xf32>
    %add3A_86 = arith.constant 9.99999974E-6 : f32
    %add3A_87 = vector.broadcast %add3A_86 : f32 to vector<1x256xf32>
    %add3A_88 = arith.addf %div3A_85, %add3A_87 : vector<1x256xf32>
    %sqrt3A_89 = math.sqrt %add3A_88 : vector<1x256xf32>
    %div3A_90 = vector.broadcast %sqrt3A_89 : vector<1x256xf32> to vector<10000x256xf32>
    %div3A_91 = arith.divf %sub3A_78, %div3A_90 : vector<10000x256xf32>
    %mul3A_92 = vector.broadcast %get3A_67 : vector<1x256xf32> to vector<10000x256xf32>
    %mul3A_93 = arith.mulf %div3A_91, %mul3A_92 : vector<10000x256xf32>
    %add3A_94 = vector.broadcast %get3A_70 : vector<1x256xf32> to vector<10000x256xf32>
    %add3A_95 = arith.addf %mul3A_93, %add3A_94 : vector<10000x256xf32>
    %max3A_96 = arith.constant 0.000000e+00 : f32
    %max3A_97 = vector.broadcast %max3A_96 : f32 to vector<10000x256xf32>
    %max3A_98 = arith.maximumf %add3A_95, %max3A_97 : vector<10000x256xf32>
    %swap3A = arith.constant 0 : index
    %swap3A_99 = arith.constant 0 : index
    %swap3A_100 = vector.load %arg11[%swap3A, %swap3A_99] : memref<10000x256xf32, #tpu.memory_space<vmem>>, vector<10000x256xf32>
    tpu.vector_store %arg11[%swap3A, %swap3A_99], %max3A_98 {strides = array<i32>} : memref<10000x256xf32, #tpu.memory_space<vmem>>, vector<10000x256xf32>,
    return
  }
}

module attributes {stable_mosaic.version = 14 : i64} {
  func.func @_dense_pool_body(%arg0: memref<1x1xf32, #tpu.memory_space<smem>>, %arg1: memref<10000x256xf32, #tpu.memory_space<vmem>>, %arg2: memref<2x10240x128xf32, #tpu.memory_space<vmem>>, %arg3: memref<256x256xf32, #tpu.memory_space<vmem>>, %arg4: memref<1x256xf32, #tpu.memory_space<vmem>>, %arg5: memref<1x256xf32, #tpu.memory_space<vmem>>, %arg6: memref<1x256xf32, #tpu.memory_space<vmem>>, %arg7: memref<256x256xf32, #tpu.memory_space<vmem>>, %arg8: memref<1x256xf32, #tpu.memory_space<vmem>>, %arg9: memref<1x256xf32, #tpu.memory_space<vmem>>, %arg10: memref<1x256xf32, #tpu.memory_space<vmem>>, %arg11: memref<1x10000xi32, #tpu.memory_space<vmem>>, %arg12: memref<256x2xf32, #tpu.memory_space<vmem>>, %arg13: memref<1x2xf32, #tpu.memory_space<vmem>>, %arg14: memref<64x2xf32, #tpu.memory_space<vmem>>) attributes {dimension_semantics = [], scalar_prefetch = 0 : i64, scratch_operands = 0 : i64, tpu.core_type = #tpu.core_type<tc>} {
    %get3A = arith.constant 0 : index
    %get3A_0 = arith.constant 0 : index
    %get3A_1 = arith.constant 0 : index
    %get3A_2 = vector.load %arg2[%get3A, %get3A_0, %get3A_1] : memref<2x10240x128xf32, #tpu.memory_space<vmem>>, vector<1x10000x128xf32>
    %get3A_3 = vector.shape_cast %get3A_2 : vector<1x10000x128xf32> to vector<10000x128xf32>
    %get3A_4 = arith.constant 1 : index
    %get3A_5 = arith.constant 0 : index
    %get3A_6 = arith.constant 0 : index
    %get3A_7 = vector.load %arg2[%get3A_4, %get3A_5, %get3A_6] : memref<2x10240x128xf32, #tpu.memory_space<vmem>>, vector<1x10000x128xf32>
    %get3A_8 = vector.shape_cast %get3A_7 : vector<1x10000x128xf32> to vector<10000x128xf32>
    %concatenate3A = tpu.concatenate %get3A_3, %get3A_8 in 1 : vector<10000x128xf32>, vector<10000x128xf32> -> vector<10000x256xf32>
    %get3A_9 = arith.constant 0 : index
    %get3A_10 = arith.constant 0 : index
    %get3A_11 = vector.load %arg1[%get3A_9, %get3A_10] : memref<10000x256xf32, #tpu.memory_space<vmem>>, vector<10000x256xf32>
    %get3A_12 = arith.constant 0 : index
    %get3A_13 = arith.constant 0 : index
    %get3A_14 = memref.load %arg0[%get3A_12, %get3A_13] : memref<1x1xf32, #tpu.memory_space<smem>>
    %add3A = arith.constant 1.000000e+00 : f32
    %add3A_15 = arith.addf %add3A, %get3A_14 : f32
    %mul3A = vector.broadcast %add3A_15 : f32 to vector<10000x256xf32>
    %mul3A_16 = arith.mulf %get3A_11, %mul3A : vector<10000x256xf32>
    %add3A_17 = arith.addf %mul3A_16, %concatenate3A : vector<10000x256xf32>
    %get3A_18 = arith.constant 0 : index
    %get3A_19 = arith.constant 0 : index
    %get3A_20 = vector.load %arg3[%get3A_18, %get3A_19] : memref<256x256xf32, #tpu.memory_space<vmem>>, vector<256x256xf32>
    %dot_general3A = arith.constant dense<0.000000e+00> : vector<10000x256xf32>
    %dot_general3A_21 = tpu.matmul %add3A_17, %get3A_20, %dot_general3A {dimension_numbers = #tpu.dot_dimension_numbers<[1], [0], [0], [1], [0, 0, 1, 1], [], []>, transpose_lhs_hint = false} : vector<10000x256xf32>, vector<256x256xf32>, vector<10000x256xf32> -> vector<10000x256xf32>
    %get3A_22 = arith.constant 0 : index
    %get3A_23 = arith.constant 0 : index
    %get3A_24 = vector.load %arg4[%get3A_22, %get3A_23] : memref<1x256xf32, #tpu.memory_space<vmem>>, vector<1x256xf32>
    %add3A_25 = vector.broadcast %get3A_24 : vector<1x256xf32> to vector<10000x256xf32>
    %add3A_26 = arith.addf %dot_general3A_21, %add3A_25 : vector<10000x256xf32>
    %get3A_27 = arith.constant 0 : index
    %get3A_28 = arith.constant 0 : index
    %get3A_29 = vector.load %arg5[%get3A_27, %get3A_28] : memref<1x256xf32, #tpu.memory_space<vmem>>, vector<1x256xf32>
    %get3A_30 = arith.constant 0 : index
    %get3A_31 = arith.constant 0 : index
    %get3A_32 = vector.load %arg6[%get3A_30, %get3A_31] : memref<1x256xf32, #tpu.memory_space<vmem>>, vector<1x256xf32>
    %reduce_sum3A = arith.constant dense<0.000000e+00> : vector<256xf32>
    %reduce_sum3A_33 = vector.multi_reduction <add>, %add3A_26, %reduce_sum3A [0] : vector<10000x256xf32> to vector<256xf32>
    %broadcast_in_dim3A = vector.shape_cast %reduce_sum3A_33 : vector<256xf32> to vector<1x256xf32>
    %div3A = arith.constant 1.000000e+04 : f32
    %div3A_34 = vector.broadcast %div3A : f32 to vector<1x256xf32>
    %div3A_35 = arith.divf %broadcast_in_dim3A, %div3A_34 : vector<1x256xf32>
    %sub3A = vector.broadcast %div3A_35 : vector<1x256xf32> to vector<10000x256xf32>
    %sub3A_36 = arith.subf %add3A_26, %sub3A : vector<10000x256xf32>
    %mul3A_37 = arith.mulf %sub3A_36, %sub3A_36 : vector<10000x256xf32>
    %reduce_sum3A_38 = arith.constant dense<0.000000e+00> : vector<256xf32>
    %reduce_sum3A_39 = vector.multi_reduction <add>, %mul3A_37, %reduce_sum3A_38 [0] : vector<10000x256xf32> to vector<256xf32>
    %broadcast_in_dim3A_40 = vector.shape_cast %reduce_sum3A_39 : vector<256xf32> to vector<1x256xf32>
    %div3A_41 = arith.constant 1.000000e+04 : f32
    %div3A_42 = vector.broadcast %div3A_41 : f32 to vector<1x256xf32>
    %div3A_43 = arith.divf %broadcast_in_dim3A_40, %div3A_42 : vector<1x256xf32>
    %add3A_44 = arith.constant 9.99999974E-6 : f32
    %add3A_45 = vector.broadcast %add3A_44 : f32 to vector<1x256xf32>
    %add3A_46 = arith.addf %div3A_43, %add3A_45 : vector<1x256xf32>
    %sqrt3A = math.sqrt %add3A_46 : vector<1x256xf32>
    %div3A_47 = vector.broadcast %sqrt3A : vector<1x256xf32> to vector<10000x256xf32>
    %div3A_48 = arith.divf %sub3A_36, %div3A_47 : vector<10000x256xf32>
    %mul3A_49 = vector.broadcast %get3A_29 : vector<1x256xf32> to vector<10000x256xf32>
    %mul3A_50 = arith.mulf %div3A_48, %mul3A_49 : vector<10000x256xf32>
    %add3A_51 = vector.broadcast %get3A_32 : vector<1x256xf32> to vector<10000x256xf32>
    %add3A_52 = arith.addf %mul3A_50, %add3A_51 : vector<10000x256xf32>
    %max3A = arith.constant 0.000000e+00 : f32
    %max3A_53 = vector.broadcast %max3A : f32 to vector<10000x256xf32>
    %max3A_54 = arith.maximumf %add3A_52, %max3A_53 : vector<10000x256xf32>
    %get3A_55 = arith.constant 0 : index
    %get3A_56 = arith.constant 0 : index
    %get3A_57 = vector.load %arg7[%get3A_55, %get3A_56] : memref<256x256xf32, #tpu.memory_space<vmem>>, vector<256x256xf32>
    %dot_general3A_58 = arith.constant dense<0.000000e+00> : vector<10000x256xf32>
    %dot_general3A_59 = tpu.matmul %max3A_54, %get3A_57, %dot_general3A_58 {dimension_numbers = #tpu.dot_dimension_numbers<[1], [0], [0], [1], [0, 0, 1, 1], [], []>, transpose_lhs_hint = false} : vector<10000x256xf32>, vector<256x256xf32>, vector<10000x256xf32> -> vector<10000x256xf32>
    %get3A_60 = arith.constant 0 : index
    %get3A_61 = arith.constant 0 : index
    %get3A_62 = vector.load %arg8[%get3A_60, %get3A_61] : memref<1x256xf32, #tpu.memory_space<vmem>>, vector<1x256xf32>
    %add3A_63 = vector.broadcast %get3A_62 : vector<1x256xf32> to vector<10000x256xf32>
    %add3A_64 = arith.addf %dot_general3A_59, %add3A_63 : vector<10000x256xf32>
    %get3A_65 = arith.constant 0 : index
    %get3A_66 = arith.constant 0 : index
    %get3A_67 = vector.load %arg9[%get3A_65, %get3A_66] : memref<1x256xf32, #tpu.memory_space<vmem>>, vector<1x256xf32>
    %get3A_68 = arith.constant 0 : index
    %get3A_69 = arith.constant 0 : index
    %get3A_70 = vector.load %arg10[%get3A_68, %get3A_69] : memref<1x256xf32, #tpu.memory_space<vmem>>, vector<1x256xf32>
    %reduce_sum3A_71 = arith.constant dense<0.000000e+00> : vector<256xf32>
    %reduce_sum3A_72 = vector.multi_reduction <add>, %add3A_64, %reduce_sum3A_71 [0] : vector<10000x256xf32> to vector<256xf32>
    %broadcast_in_dim3A_73 = vector.shape_cast %reduce_sum3A_72 : vector<256xf32> to vector<1x256xf32>
    %div3A_74 = arith.constant 1.000000e+04 : f32
    %div3A_75 = vector.broadcast %div3A_74 : f32 to vector<1x256xf32>
    %div3A_76 = arith.divf %broadcast_in_dim3A_73, %div3A_75 : vector<1x256xf32>
    %sub3A_77 = vector.broadcast %div3A_76 : vector<1x256xf32> to vector<10000x256xf32>
    %sub3A_78 = arith.subf %add3A_64, %sub3A_77 : vector<10000x256xf32>
    %mul3A_79 = arith.mulf %sub3A_78, %sub3A_78 : vector<10000x256xf32>
    %reduce_sum3A_80 = arith.constant dense<0.000000e+00> : vector<256xf32>
    %reduce_sum3A_81 = vector.multi_reduction <add>, %mul3A_79, %reduce_sum3A_80 [0] : vector<10000x256xf32> to vector<256xf32>
    %broadcast_in_dim3A_82 = vector.shape_cast %reduce_sum3A_81 : vector<256xf32> to vector<1x256xf32>
    %div3A_83 = arith.constant 1.000000e+04 : f32
    %div3A_84 = vector.broadcast %div3A_83 : f32 to vector<1x256xf32>
    %div3A_85 = arith.divf %broadcast_in_dim3A_82, %div3A_84 : vector<1x256xf32>
    %add3A_86 = arith.constant 9.99999974E-6 : f32
    %add3A_87 = vector.broadcast %add3A_86 : f32 to vector<1x256xf32>
    %add3A_88 = arith.addf %div3A_85, %add3A_87 : vector<1x256xf32>
    %sqrt3A_89 = math.sqrt %add3A_88 : vector<1x256xf32>
    %div3A_90 = vector.broadcast %sqrt3A_89 : vector<1x256xf32> to vector<10000x256xf32>
    %div3A_91 = arith.divf %sub3A_78, %div3A_90 : vector<10000x256xf32>
    %mul3A_92 = vector.broadcast %get3A_67 : vector<1x256xf32> to vector<10000x256xf32>
    %mul3A_93 = arith.mulf %div3A_91, %mul3A_92 : vector<10000x256xf32>
    %add3A_94 = vector.broadcast %get3A_70 : vector<1x256xf32> to vector<10000x256xf32>
    %add3A_95 = arith.addf %mul3A_93, %add3A_94 : vector<10000x256xf32>
    %max3A_96 = arith.constant 0.000000e+00 : f32
    %max3A_97 = vector.broadcast %max3A_96 : f32 to vector<10000x256xf32>
    %max3A_98 = arith.maximumf %add3A_95, %max3A_97 : vector<10000x256xf32>
    %get3A_99 = arith.constant 0 : index
    %get3A_100 = arith.constant 0 : index
    %get3A_101 = vector.load %arg11[%get3A_99, %get3A_100] : memref<1x10000xi32, #tpu.memory_space<vmem>>, vector<1x10000xi32>
    %iota3A = tpu.iota {dimensions = array<i32: 0>} : vector<64x10000xi32>
    %eq3A = vector.broadcast %get3A_101 : vector<1x10000xi32> to vector<64x10000xi32>
    %eq3A_102 = arith.cmpi eq, %eq3A, %iota3A : vector<64x10000xi32>
    %convert_element_type3A = arith.extui %eq3A_102 : vector<64x10000xi1> to vector<64x10000xi32>
    %convert_element_type3A_103 = arith.sitofp %convert_element_type3A : vector<64x10000xi32> to vector<64x10000xf32>
    %dot_general3A_104 = arith.constant dense<0.000000e+00> : vector<64x256xf32>
    %dot_general3A_105 = tpu.matmul %convert_element_type3A_103, %max3A_98, %dot_general3A_104 {dimension_numbers = #tpu.dot_dimension_numbers<[1], [0], [0], [1], [0, 0, 1, 1], [], []>, transpose_lhs_hint = false} : vector<64x10000xf32>, vector<10000x256xf32>, vector<64x256xf32> -> vector<64x256xf32>
    %get3A_106 = arith.constant 0 : index
    %get3A_107 = arith.constant 0 : index
    %get3A_108 = vector.load %arg12[%get3A_106, %get3A_107] : memref<256x2xf32, #tpu.memory_space<vmem>>, vector<256x2xf32>
    %dot_general3A_109 = arith.constant dense<0.000000e+00> : vector<64x2xf32>
    %dot_general3A_110 = tpu.matmul %dot_general3A_105, %get3A_108, %dot_general3A_109 {dimension_numbers = #tpu.dot_dimension_numbers<[1], [0], [0], [1], [0, 0, 1, 1], [], []>, transpose_lhs_hint = false} : vector<64x256xf32>, vector<256x2xf32>, vector<64x2xf32> -> vector<64x2xf32>
    %get3A_111 = arith.constant 0 : index
    %get3A_112 = arith.constant 0 : index
    %get3A_113 = vector.load %arg13[%get3A_111, %get3A_112] : memref<1x2xf32, #tpu.memory_space<vmem>>, vector<1x2xf32>
    %add3A_114 = vector.broadcast %get3A_113 : vector<1x2xf32> to vector<64x2xf32>
    %add3A_115 = arith.addf %dot_general3A_110, %add3A_114 : vector<64x2xf32>
    %swap3A = arith.constant 0 : index
    %swap3A_116 = arith.constant 0 : index
    %swap3A_117 = vector.load %arg14[%swap3A, %swap3A_116] : memref<64x2xf32, #tpu.memory_space<vmem>>, vector<64x2xf32>
    tpu.vector_store %arg14[%swap3A, %swap3A_116], %add3A_115 {strides = array<i32>} : memref<64x2xf32, #tpu.memory_space<vmem>>, vector<64x2xf32>,
    return
  }
}

</mosaic_0001>

<sc_bundles>
// kernel: kernel.11.cloned.1.call-start
scs
__scs_entry_jumppad:
0x0: {  	(pc) =	sbr.rel $0x88, $3  }
0x1: {  	(tag) =	ssettag $0x0;
	lr =	simm.s32 $0x1  }
0x2: {  	[smem:$0x3F81] =	sst lr;
	_ =	strace $0xD0000000  }
0x3: {  	_ = 	snop  }
0x4: {  	_ = 	snop  }
0x5: {  	_ = 	snop  }
0x6: {  	_ = 	snop  }
0x7: {  	_ = 	snop  }
__scs_overlays_trampoline_lowered:
0x8: {  	[smem:$0x3F90] =	sst s0  }
0x9: {  	[smem:$0x3F91] =	sst s1  }
0xa: {  	[smem:$0x3F92] =	sst s2  }
0xb: {  	[smem:$0x3F93] =	sst s3  }
0xc: {  	[smem:$0x3F94] =	sst s4  }
0xd: {  	[smem:$0x3F95] =	sst s5  }
0xe: {  	[smem:$0x3F96] =	sst s6  }
0xf: {  	[smem:$0x3F97] =	sst s7  }
0x10: {  	[smem:$0x3F98] =	sst s8  }
0x11: {  	[smem:$0x3F99] =	sst s9;
	s0 =	simm.s32 @!p0 $0x0  }
0x12: {  	s1 =	sld [smem:$0x3F7F];
	s0 =	simm.s32 @p0 $0x1  }
0x13: {  	[smem:$0x3F9A] =	sst s0;
	s0 =	simm.s32 @!p1 $0x0  }
0x14: {  	s2 =	sld [smem:$0x3F7E];
	s0 =	simm.s32 @p1 $0x1  }
0x15: {  	[smem:$0x3F9B] =	sst s0;
	s0 =	simm.s32 @!p2 $0x0  }
0x16: {  	s3 =	sld [smem:$0x3FDB];
	s0 =	simm.s32 @p2 $0x1  }
0x17: {  	s4 =	simm.s32 $0x1BF5;
	[smem:$0x3F9D] =	sst s0  }
0x18: {  	s0 =	sld [smem:$0x3F80];
	_ =	swait.ge [sflag:s4], $0x0  }
0x19: {  	s7 =	sld [smem:$0x3F81]  }
0x1a: {  	s8 =	sadd.s32 $0xFFFFE003, lr  }
0x1b: {  	s9 =	sadd.s32 $0xFFFFFEF7, lr;
	s5 =	simm.s32 $0xFFFFFFFF;
	p2 =	slt.u32 s8, $0xFFFFF086  }
0x1c: {  	p1 =	slt.u32 s9, $0xF7A;
	s5 =	simm.s32 @!p2 $0x0  }
0x1d: {  	s5 =	simm.s32 @p1 $0x1;
	p0 =	seq.s32 s7, s2  }
0x1e: {  	s7 =	smul.u32 @!p0 $0xF7A, s2;
	p2 =	seq.s32 @!p0 s5, $0x0  }
0x1f: {  	s9 =	smul.u32 $0xF7A, s1;
	s8 =	simm.s32 @!p0 $0x1BF5;
	p2 =	por !p2, p0  }
0x20: {  	[sflag:s8] =	ssyncset.s32 @!p0 $0xFFFFF086;
	s6 =	sadd.s32 @!p0 s3, s7;
	s7 =	simm.s32 @!p0 $0x108  }
0x21: {  	s3 =	sadd.s32 s3, s9;
	s6 =	sadd.s32 @!p0 $0x88, s6;
	s7 =	simm.s32 @p2 $0x1082  }
0x22: {  	[simem:s7], [sflag:s8] =	dma.local @!p0 [hbm:s6], $0xF7A  }
0x23: {  	s9 =	sor.u32 $0xD0000000, s2;
	s6 =	simm.s32 $0x108;
	_ =	swait.ge @!p0 [sflag:s8], $0x0  }
0x24: {  	s3 =	sadd.s32 $0x88, s3;
	s6 =	simm.s32 @!p1 $0x1082;
	[sflag:s4] =	ssyncset.s32 $0xFFFFF086  }
0x25: {  	[simem:s6], [sflag:s4] =	dma.local [hbm:s3], $0xF7A  }
0x26: {  	[smem:$0x3F81] =	sst s1;
	(tag) =	ssettag s2;
	_ =	strace s9  }
0x27: {  	s1 =	sld [smem:$0x3F91]  }
0x28: {  	s2 =	sld [smem:$0x3F92]  }
0x29: {  	s4 =	sld [smem:$0x3F94]  }
0x2a: {  	p0 =	seq.s32 s5, $0x0;
	s5 =	sld [smem:$0x3F95]  }
0x2b: {  	s6 =	sld [smem:$0x3F96]  }
0x2c: {  	s7 =	sld [smem:$0x3F97]  }
0x2d: {  	s3 =	simm.s32 $0x108;
	s8 =	sld [smem:$0x3F98]  }
0x2e: {  	s3 =	simm.s32 @!p0 $0x1082;
	s9 =	sld [smem:$0x3F99]  }
0x2f: {  	lr =	sadd.s32 s0, s3;
	s0 =	sld [smem:$0x3F90]  }
0x30: {  	s3 =	sld [smem:$0x3F93]  }
0x31: {  	[smem:$0x3F9C] =	sst s10  }
0x32: {  	s10 =	sld [smem:$0x3F9A];
	_ =	sdelay $0x3  }
0x33: {  	p0 =	seq.s32 s10, $0x1;
	s10 =	sld [smem:$0x3F9C];
	_ =	sdelay $0x3  }
0x34: {  	[smem:$0x3F9C] =	sst s10  }
0x35: {  	s10 =	sld [smem:$0x3F9B];
	_ =	sdelay $0x3  }
0x36: {  	p1 =	seq.s32 s10, $0x1;
	s10 =	sld [smem:$0x3F9C];
	_ =	sdelay $0x3  }
0x37: {  	[smem:$0x3F9C] =	sst s10  }
0x38: {  	s10 =	sld [smem:$0x3F9D]  }
0x39: {  	_ = 	snop;
	(pc) =	sbr.ind lr, $3  }
0x3a: {  	_ = 	snop  }
0x3b: {  	_ = 	snop  }
0x3c: {  	p2 =	seq.s32 s10, $0x1;
	s10 =	sld [smem:$0x3F9C]  }
0x3d: {  	_ =	shalt  }
0x3e: {  	_ =	shalt  }
0x3f: {  	_ =	shalt  }
0x40: {  	_ =	shalt  }
0x41: {  	_ =	shalt  }
0x42: {  	_ =	shalt  }
0x43: {  	_ =	shalt  }
0x44: {  	_ =	shalt  }
0x45: {  	_ =	shalt  }
0x46: {  	_ =	shalt  }
0x47: {  	_ =	shalt  }
0x48: {  	_ =	shalt  }
0x49: {  	_ =	shalt  }
0x4a: {  	_ =	shalt  }
0x4b: {  	_ =	shalt  }
0x4c: {  	_ =	shalt  }
0x4d: {  	_ =	shalt  }
0x4e: {  	_ =	shalt  }
0x4f: {  	_ =	shalt  }
0x50: {  	_ =	shalt  }
0x51: {  	_ =	shalt  }
0x52: {  	_ =	shalt  }
0x53: {  	_ =	shalt  }
0x54: {  	_ =	shalt  }
0x55: {  	_ =	shalt  }
0x56: {  	_ =	shalt  }
0x57: {  	_ =	shalt  }
0x58: {  	_ =	shalt  }
0x59: {  	_ =	shalt  }
0x5a: {  	_ =	shalt  }
0x5b: {  	_ =	shalt  }
0x5c: {  	_ =	shalt  }
0x5d: {  	_ =	shalt  }
0x5e: {  	_ =	shalt  }
0x5f: {  	_ =	shalt  }
0x60: {  	_ =	shalt  }
0x61: {  	_ =	shalt  }
0x62: {  	_ =	shalt  }
0x63: {  	_ =	shalt  }
0x64: {  	_ =	shalt  }
0x65: {  	_ =	shalt  }
0x66: {  	_ =	shalt  }
0x67: {  	_ =	shalt  }
0x68: {  	_ =	shalt  }
0x69: {  	_ =	shalt  }
0x6a: {  	_ =	shalt  }
0x6b: {  	_ =	shalt  }
0x6c: {  	_ =	shalt  }
0x6d: {  	_ =	shalt  }
0x6e: {  	_ =	shalt  }
0x6f: {  	_ =	shalt  }
0x70: {  	_ =	shalt  }
0x71: {  	_ =	shalt  }
0x72: {  	_ =	shalt  }
0x73: {  	_ =	shalt  }
0x74: {  	_ =	shalt  }
0x75: {  	_ =	shalt  }
0x76: {  	_ =	shalt  }
0x77: {  	_ =	shalt  }
0x78: {  	_ =	shalt  }
0x79: {  	_ =	shalt  }
0x7a: {  	_ =	shalt  }
0x7b: {  	_ =	shalt  }
0x7c: {  	_ =	shalt  }
0x7d: {  	_ =	shalt  }
0x7e: {  	_ =	shalt  }
0x7f: {  	_ =	shalt  }
0x80: {  	_ =	shalt  }
0x81: {  	_ =	shalt  }
0x82: {  	_ =	shalt  }
0x83: {  	_ =	shalt  }
0x84: {  	_ =	shalt  }
0x85: {  	_ =	shalt  }
0x86: {  	_ =	shalt  }
0x87: {  	_ =	shalt  }
.Lfunc_end0:
.L_simem_size_0:
called_computation.1_lowered:
.L_overlay_start_0:
0x88: {  	s2 =	sld [smem:$0x3FD9]  }
0x89: {  	s3 =	sld [smem:$0x3FFE];
	_ =	sdelay $0x1  }
0x8a: {  	s1 =	srdreg.scid  }
0x8b: {  	s0 =	sand.u32 $0x1, s1  }
0x8c: {  	s16 =	sshll.u32 s0, $0xA;
	s2 =	sadd.s32 s3, s2  }
0x8d: {  	s2 =	sadd.s32 s2, s16  }
0x8e: {  	[smem:$0x3FA8] =	sst s2  }
0x8f: {  	_ = 	snop  }
0x90: {  	(tm) =	ssettm $0x1  }
0x91: {  	s17 =	sld [smem:$0x3FFB];
	_ =	sdelay $0x3  }
0x92: {  	_ =	strace s17  }
0x93: {  	s2 =	sld [smem:$0x3FFC];
	_ =	sdelay $0x3  }
0x94: {  	_ =	strace s2  }
0x95: {  	s2 =	sld [smem:$0x3FFD];
	_ =	sdelay $0x3  }
0x96: {  	_ =	strace s2  }
0x97: {  	_ =	strace $0x8FFFFFFF  }
0x98: {  	s18 =	sld [smem:$0x3FDB];
	_ =	sdelay $0x1  }
0x99: {  	s19 =	simm.s32 $_scs_section_size  }
0x9a: {  	s4 =	simm.s32 $_size__tile_overlayer_lowered;
	s5 =	simm.s32 $_tile_overlayer_lowered  }
0x9b: {  	s22 =	simm.s32 $0x1BFF;
	s21 =	sshll.u32 s5, $0x1;
	s2 =	sadd.s32 s19, s18  }
0x9c: {  	s6 =	simm.s32 $0x0;
	s20 =	sshll.u32 s4, $0x1;
	s4 =	sadd.s32 s21, s2  }
0x9d: {  	[timem:s6], [sflag:s22] =	dma.local [hbm:s4], s20  }
0x9e: {  	_ =	swait.ge [sflag:s22], s20  }
0x9f: {  	s3 =	ssub.s32 $0x0, s20;
	[sflag:s22] =	ssyncset.done $0x0  }
0xa0: {  	[sflag:s22] =	ssyncadd.s32 s3;
	_ =	sdelay $0x1  }
0xa1: {  	s23 =	simm.s32 $0x1B8B  }
0xa2: {  	_ =	swait.ge [sflag:s23], $0x1  }
0xa3: {  	[sflag:s23] =	ssyncset.done $0x0  }
0xa4: {  	s25 =	simm.s32 $0x1B8E;
	s24 =	sld [smem:$0x3FFE];
	[sflag:s23] =	ssyncadd.s32 $0xFFFFFFFF  }
0xa5: {  	s26 =	simm.s32 $execute0_lowered;
	[smem:$0x3FD2] =	sst s25  }
0xa6: {  	s4 =	sshll.u32 s26, $0x1;
	_ =	strace $0x80000049;
	[dreg:$0x1] =	wrdreg $0xFFFFFFFF  }
0xa7: {  	s28 =	simm.s32 $_size_execute0_lowered;
	s2 =	sadd.s32 s2, s4;
	[dreg:$0x0] =	wrdreg $0x0  }
0xa8: {  	s4 =	sshll.u32 s28, $0x1;
	[dreg:$0x2] =	wrdreg s2  }
0xa9: {  	[dreg:$0x3] =	wrdreg s4  }
0xaa: {  	[dreg:$0x4] =	wrdreg $0xC0  }
0xab: {  	_ =	task [dreg:s6], $0x5FFFF  }
0xac: {  	[dreg:$0x1] =	wrdreg $0xFFFFFFFF  }
0xad: {  	[dreg:$0x0] =	wrdreg $0x60  }
0xae: {  	[dreg:$0x2] =	wrdreg s24  }
0xaf: {  	[dreg:$0x3] =	wrdreg $0x29000  }
0xb0: {  	[dreg:$0x4] =	wrdreg $0x9  }
0xb1: {  	_ =	task.clear_ibuf [dreg:s6], $0x5FFFF;
	_ =	strace $0x90000049  }
0xb2: {  	s29 =	simm.s32 $0x9;
	_ =	strace $0x8000004B  }
0xb3: {  	_ =	swait.ge [sflag:s29], $0x1  }
0xb4: {  	[sflag:s29] =	ssyncadd.s32 $0xFFFFFFFF  }
0xb5: {  	_ =	strace $0x9000004B  }
0xb6: {  	_ =	sfence  }
0xb7: {  	s30 =	sld [smem:$0x0];
	_ =	sdelay $0x2  }
0xb8: {  	s31 =	sshll.u32 s1, $0xD;
	s1 =	sshrl.u32 s1, $0x2  }
0xb9: {  	s3 =	sand.u32 $0x4000, s31;
	s1 =	sadd.s32 s1, s30  }
0xba: {  	s0 =	sor.u32 s3, s0;
	s1 =	sshll.u32 s1, $0x11  }
0xbb: {  	s0 =	sor.u32 s1, s0  }
0xbc: {  	s0 =	sadd.s32 $0x8F2B, s0  }
0xbd: {  	[sflag:s0] =	ssyncadd.remote.s32 $0x1  }
0xbe: {  	_ =	sfence.sel $0xFFFF  }
0xbf: {  	[dreg:$0x0] =	wrdreg $0xFFFFFFFF;
	(pc) =	sbr.abs _section_cstart, $3  }
0xc0: {  	[dreg:$0x1] =	wrdreg $0xFFFFFFFF  }
0xc1: {  	_ =	task.clear_ibuf [dreg:s6], $0x2FFFF;
	_ =	strace $0x9FFFFFFF  }
0xc2: {  	(tm) =	ssettm $0x7FFFFFFF  }
0xc3: {  	_ =	shalt  }
tec
execute0_lowered:
.L_overlay_start_1:
0x0: {  	(tag) =	ssettag $0x1  }
0x1: {  	s1 =	srdreg.scid;
	s0 =	stileid.u32  }
0x2: {  	s5 =	rddreg [dreg:$0x0];
	s4 =	smul.u32 $0x4E20, s0  }
0x3: {  	s2 =	rddreg [dreg:$0x1];
	s25 =	smul.u32 $0x9C4, s0  }
0x4: {  	s3 =	simm.s32 $0x0;
	s14 =	simm.s32 $0x100;
	s16 =	smul.u32 $0x2800, s0  }
0x5: {  	s6 =	sand.u32 $0x1, s1;
	s1 =	rddreg [dreg:$0x2];
	s28 =	smul.u32 $0x50000, s0  }
0x6: {  	s15 =	simm.s32 $0x1;
	[smem:$0x7FF] =	sst s3;
	s7 =	smul.u32 $0x4E200, s6  }
0x7: {  	s31 =	sshll.u32 s0, $0x6;
	_ =	strace $0x8000004A;
	s26 =	smul.u32 $0x28000, s6  }
0x8: {  	s6 =	ssub.s32 $0x2, s6;
	s10 =	sadd.s32 s25, s5;
	s11 =	sadd.s32 s16, s5  }
0x9: {  	s29 =	sshrl.u32 s6, $0x1;
	s30 =	sshrl.u32 s28, $0x2;
	s4 =	sadd.s32 s4, s7  }
0xa: {  	s12 =	ssub.s32 s6, s29;
	s13 =	sadd.s32 s30, s2;
	s6 =	sor.u32 $0x1C02, s31  }
0xb: {  	s8 =	sshrl.u32 s4, $0x3;
	s4 =	sadd.s32 $0x40800, s5;
	s7 =	smax.u32 s12, $0x1  }
0xc: {  	s12 =	simm.s32 $0x80;
	s9 =	sadd.s32 s8, s5;
	s8 =	sadd.s32 s26, s5  }
0xd: {  	s5 =	sadd.s32 $0x18800, s11;
	s11 =	simm.s32 $0x2;
	s17 =	sadd.s32 $0xA4200, s8  }
0xe: {  	s8 =	sadd.s32 $0xEA00, s10;
	s9 =	sadd.s32 $0x90800, s9;
	s10 =	sshrl.u32 s13, $0x3  }
0xf: {  	s13 =	simm.s32 $0x50;
	s16 =	sadd.s32 s16, s17;
	s17 =	simm.s32 $0x0  }
.LBB2_1:
0x10: {  	[spmem:s10], [sflag:s6] =	dma.local [hbm:s5], $0x2800  }
0x11: {  	_ =	swait.ge [sflag:s11], $0x2800  }
0x12: {  	[sflag:s11] =	ssyncset.done $0x0  }
0x13: {  	[sflag:s11] =	ssyncadd.s32 $0xFFFFD800  }
0x14: {  	s18 =	sadd.s32 $0x0, s9;
	[bflag:$0x0] =	sbarrier.arrive $0xFFFF  }
0x15: {  	[tilespmem:s3], [sflag:$0x2] =	stream.linear.gather [hbm4b:s18+s3], $0x50, $0x38;
	[tilespmem:$0x16900] =	vst v63  }
0x16: {  	_ =	swait.ge [sflag:s11], $0x50  }
0x17: {  	[sflag:s11] =	ssyncset.done $0x0  }
0x18: {  	s31 =	sadd.s32 $0x0, s8;
	[sflag:s11] =	ssyncadd.s32 $0xFFFFFFB0  }
0x19: {  	[tilespmem:s12], [sflag:$0x2] =	stream.linear.gather [hbm4b:s31+s3], $0x50, $0x38;
	[tilespmem:$0x16900] =	vst v63  }
0x1a: {  	_ =	swait.ge [sflag:s11], $0x50  }
0x1b: {  	[sflag:s11] =	ssyncset.done $0x0  }
0x1c: {  	[sflag:s11] =	ssyncadd.s32 $0xFFFFFFB0  }
0x1d: {  	[tilespmem:s14], [sflag:$0x1] =	stream.indirect.gather [hbm4b:s4+s13], $0x80, s3, s13, $0xb8;
	[tilespmem:$0x16900] =	vst v63  }
0x1e: {  	_ =	swait.ge [sflag:s15], $0x2800  }
0x1f: {  	[sflag:s15] =	ssyncset.done $0x0  }
0x20: {  	[sflag:s15] =	ssyncadd.s32 $0xFFFFD800  }
0x21: {  	[spmem:s2] =	stream.indirect.scatter.add.f32 [tilespmem:s14], [sflag:$0x2], $0x80, s12, s13, $0xb8;
	[tilespmem:$0x16900] =	vst v63  }
0x22: {  	_ =	swait.ge [sflag:s11], $0x2800  }
0x23: {  	s19 =	simm.s32 $0x14;
	s18 =	simm.s32 $0xA;
	[sflag:s11] =	ssyncset.done $0x0  }
.LBB2_2:
0x24: {  	s20 =	sadd.s32 s18, s9  }
0x25: {  	[sflag:s11] =	ssyncadd.s32 $0xFFFFD800;
	s21 =	smov.u32 s19;
	s22 =	sadd.s32 $0xA, s19  }
0x26: {  	[tilespmem:s3], [sflag:$0x2] =	stream.linear.gather [hbm4b:s20+s3], $0x50, $0x38;
	[tilespmem:$0x16900] =	vst v63  }
0x27: {  	p0 =	sne.s32 s19, $0x9BA;
	_ =	swait.ge [sflag:s11], $0x50  }
0x28: {  	[sflag:s11] =	ssyncset.done $0x0  }
0x29: {  	s19 =	sadd.s32 s18, s8;
	s18 =	smov.u32 s21;
	[sflag:s11] =	ssyncadd.s32 $0xFFFFFFB0  }
0x2a: {  	[tilespmem:s12], [sflag:$0x2] =	stream.linear.gather [hbm4b:s19+s3], $0x50, $0x38;
	[tilespmem:$0x16900] =	vst v63  }
0x2b: {  	_ =	swait.ge [sflag:s11], $0x50  }
0x2c: {  	[sflag:s11] =	ssyncset.done $0x0  }
0x2d: {  	[sflag:s11] =	ssyncadd.s32 $0xFFFFFFB0  }
0x2e: {  	[tilespmem:s14], [sflag:$0x1] =	stream.indirect.gather [hbm4b:s4+s13], $0x80, s3, s13, $0xb8;
	[tilespmem:$0x16900] =	vst v63  }
0x2f: {  	_ =	swait.ge [sflag:s15], $0x2800  }
.Ltmp0:
0x30: {  	[sflag:s15] =	ssyncset.done $0x0;
	(pc) =	sbr.rel @p0 .LBB2_2-.Ltmp0, $4  }
0x31: {  	[sflag:s15] =	ssyncadd.s32 $0xFFFFD800  }
0x32: {  	[spmem:s2] =	stream.indirect.scatter.add.f32 [tilespmem:s14], [sflag:$0x2], $0x80, s12, s13, $0xb8;
	[tilespmem:$0x16900] =	vst v63  }
0x33: {  	_ =	swait.ge [sflag:s11], $0x2800  }
0x34: {  	s19 =	smov.u32 s22;
	[sflag:s11] =	ssyncset.done $0x0  }
0x35: {  	s19 =	sadd.s32 s18, s9;
	[sflag:s11] =	ssyncadd.s32 $0xFFFFD800  }
0x36: {  	[tilespmem:s3], [sflag:$0x2] =	stream.linear.gather [hbm4b:s19+s3], $0x50, $0x38;
	[tilespmem:$0x16900] =	vst v63  }
0x37: {  	_ =	swait.ge [sflag:s11], $0x50  }
0x38: {  	[sflag:s11] =	ssyncset.done $0x0  }
0x39: {  	s31 =	sadd.s32 s18, s8;
	[sflag:s11] =	ssyncadd.s32 $0xFFFFFFB0  }
0x3a: {  	[tilespmem:s12], [sflag:$0x2] =	stream.linear.gather [hbm4b:s31+s3], $0x50, $0x38;
	[tilespmem:$0x16900] =	vst v63  }
0x3b: {  	_ =	swait.ge [sflag:s11], $0x50  }
0x3c: {  	[sflag:s11] =	ssyncset.done $0x0  }
0x3d: {  	[sflag:s11] =	ssyncadd.s32 $0xFFFFFFB0  }
0x3e: {  	[tilespmem:s14], [sflag:$0x1] =	stream.indirect.gather [hbm4b:s4+s13], $0x80, s3, s13, $0xb8;
	[tilespmem:$0x16900] =	vst v63  }
0x3f: {  	_ =	swait.ge [sflag:s15], $0x2800  }
0x40: {  	[sflag:s15] =	ssyncset.done $0x0  }
0x41: {  	[sflag:s15] =	ssyncadd.s32 $0xFFFFD800  }
0x42: {  	[spmem:s2] =	stream.indirect.scatter.add.f32 [tilespmem:s14], [sflag:$0x2], $0x80, s12, s13, $0xb8;
	[tilespmem:$0x16900] =	vst v63  }
0x43: {  	_ =	swait.ge [sflag:s11], $0x2800  }
0x44: {  	s17 =	sadd.s32 $0x1, s17;
	[sflag:s11] =	ssyncset.done $0x0  }
0x45: {  	p0 =	sne.s32 s17, s7;
	[sflag:s11] =	ssyncadd.s32 $0xFFFFD800  }
.Ltmp1:
0x46: {  	[bflag:$0x0] =	sbarrier.arrive $0xFFFF;
	(pc) =	sbr.rel @p0 .LBB2_1-.Ltmp1, $4  }
0x47: {  	[hbm:s16], [sflag:s6] =	dma.local [spmem:s10], $0x2800  }
0x48: {  	_ =	swait.ge [sflag:s11], $0x2800  }
0x49: {  	[sflag:s11] =	ssyncset.done $0x0  }
0x4a: {  	[sflag:s11] =	ssyncadd.s32 $0xFFFFD800  }
0x4b: {  	_ =	sfence.sel $0x180000  }
0x4c: {  	[bflag:$0x0] =	sbarrier.arrive $0xFFFF  }
0x4d: {  	p0 =	sne.s32 s0, $0x0;
	_ =	strace $0x9000004A  }
0x4e: {  	s0 =	sadd.s32 @!p0 $0x100000, s1;
	[bflag:$0x2] =	sbarrier.arrive $0xFFFF  }
0x4f: {  	[sflag:s0] =	ssyncadd.tile.s32 @!p0 $0x1;
	_ =	shalt  }
.Lfunc_end2:
_tile_overlayer_lowered:
.L_overlay_start_2:
0x50: {  	(tag) =	ssettag $0x2  }
0x51: {  	s0 =	rddreg [dreg:$0x0];
	s2 =	stileid.u32  }
0x52: {  	s1 =	rddreg [dreg:$0x1];
	p0 =	sne.s32 s2, $0x0  }
0x53: {  	s3 =	rddreg [dreg:$0x2];
	[bflag:$0x3] =	sbarrier.arrive $0xFFFF;
	s2 =	simm.s32 @!p0 $0x1C02  }
0x54: {  	[timem:s3], [sflag:s2] =	dma.local @!p0 [hbm:s0], s1  }
0x55: {  	s0 =	simm.s32 @!p0 $0x2  }
0x56: {  	_ =	swait.ge @!p0 [sflag:s0], s1  }
0x57: {  	s1 =	ssub.s32 @!p0 $0x0, s1;
	[sflag:s0] =	ssyncset.done @!p0 $0x0  }
0x58: {  	[sflag:s0] =	ssyncadd.s32 @!p0 s1  }
0x59: {  	[bflag:$0x3] =	sbarrier.arrive $0xFFFF  }
0x5a: {  	_ =	shalt  }

// kernel: kernel.14.cloned.1.call-start
scs
__scs_entry_jumppad:
0x0: {  	(pc) =	sbr.rel $0x88, $3  }
0x1: {  	(tag) =	ssettag $0x0;
	lr =	simm.s32 $0x1  }
0x2: {  	[smem:$0x3F81] =	sst lr;
	_ =	strace $0xD0000000  }
0x3: {  	_ = 	snop  }
0x4: {  	_ = 	snop  }
0x5: {  	_ = 	snop  }
0x6: {  	_ = 	snop  }
0x7: {  	_ = 	snop  }
__scs_overlays_trampoline_lowered:
0x8: {  	[smem:$0x3F90] =	sst s0  }
0x9: {  	[smem:$0x3F91] =	sst s1  }
0xa: {  	[smem:$0x3F92] =	sst s2  }
0xb: {  	[smem:$0x3F93] =	sst s3  }
0xc: {  	[smem:$0x3F94] =	sst s4  }
0xd: {  	[smem:$0x3F95] =	sst s5  }
0xe: {  	[smem:$0x3F96] =	sst s6  }
0xf: {  	[smem:$0x3F97] =	sst s7  }
0x10: {  	[smem:$0x3F98] =	sst s8  }
0x11: {  	[smem:$0x3F99] =	sst s9;
	s0 =	simm.s32 @!p0 $0x0  }
0x12: {  	s1 =	sld [smem:$0x3F7F];
	s0 =	simm.s32 @p0 $0x1  }
0x13: {  	[smem:$0x3F9A] =	sst s0;
	s0 =	simm.s32 @!p1 $0x0  }
0x14: {  	s2 =	sld [smem:$0x3F7E];
	s0 =	simm.s32 @p1 $0x1  }
0x15: {  	[smem:$0x3F9B] =	sst s0;
	s0 =	simm.s32 @!p2 $0x0  }
0x16: {  	s3 =	sld [smem:$0x3FDB];
	s0 =	simm.s32 @p2 $0x1  }
0x17: {  	s4 =	simm.s32 $0x1BF5;
	[smem:$0x3F9D] =	sst s0  }
0x18: {  	s0 =	sld [smem:$0x3F80];
	_ =	swait.ge [sflag:s4], $0x0  }
0x19: {  	s7 =	sld [smem:$0x3F81]  }
0x1a: {  	s8 =	sadd.s32 $0xFFFFE003, lr  }
0x1b: {  	s9 =	sadd.s32 $0xFFFFFEF7, lr;
	s5 =	simm.s32 $0xFFFFFFFF;
	p2 =	slt.u32 s8, $0xFFFFF086  }
0x1c: {  	p1 =	slt.u32 s9, $0xF7A;
	s5 =	simm.s32 @!p2 $0x0  }
0x1d: {  	s5 =	simm.s32 @p1 $0x1;
	p0 =	seq.s32 s7, s2  }
0x1e: {  	s7 =	smul.u32 @!p0 $0xF7A, s2;
	p2 =	seq.s32 @!p0 s5, $0x0  }
0x1f: {  	s9 =	smul.u32 $0xF7A, s1;
	s8 =	simm.s32 @!p0 $0x1BF5;
	p2 =	por !p2, p0  }
0x20: {  	[sflag:s8] =	ssyncset.s32 @!p0 $0xFFFFF086;
	s6 =	sadd.s32 @!p0 s3, s7;
	s7 =	simm.s32 @!p0 $0x108  }
0x21: {  	s3 =	sadd.s32 s3, s9;
	s6 =	sadd.s32 @!p0 $0x88, s6;
	s7 =	simm.s32 @p2 $0x1082  }
0x22: {  	[simem:s7], [sflag:s8] =	dma.local @!p0 [hbm:s6], $0xF7A  }
0x23: {  	s9 =	sor.u32 $0xD0000000, s2;
	s6 =	simm.s32 $0x108;
	_ =	swait.ge @!p0 [sflag:s8], $0x0  }
0x24: {  	s3 =	sadd.s32 $0x88, s3;
	s6 =	simm.s32 @!p1 $0x1082;
	[sflag:s4] =	ssyncset.s32 $0xFFFFF086  }
0x25: {  	[simem:s6], [sflag:s4] =	dma.local [hbm:s3], $0xF7A  }
0x26: {  	[smem:$0x3F81] =	sst s1;
	(tag) =	ssettag s2;
	_ =	strace s9  }
0x27: {  	s1 =	sld [smem:$0x3F91]  }
0x28: {  	s2 =	sld [smem:$0x3F92]  }
0x29: {  	s4 =	sld [smem:$0x3F94]  }
0x2a: {  	p0 =	seq.s32 s5, $0x0;
	s5 =	sld [smem:$0x3F95]  }
0x2b: {  	s6 =	sld [smem:$0x3F96]  }
0x2c: {  	s7 =	sld [smem:$0x3F97]  }
0x2d: {  	s3 =	simm.s32 $0x108;
	s8 =	sld [smem:$0x3F98]  }
0x2e: {  	s3 =	simm.s32 @!p0 $0x1082;
	s9 =	sld [smem:$0x3F99]  }
0x2f: {  	lr =	sadd.s32 s0, s3;
	s0 =	sld [smem:$0x3F90]  }
0x30: {  	s3 =	sld [smem:$0x3F93]  }
0x31: {  	[smem:$0x3F9C] =	sst s10  }
0x32: {  	s10 =	sld [smem:$0x3F9A];
	_ =	sdelay $0x3  }
0x33: {  	p0 =	seq.s32 s10, $0x1;
	s10 =	sld [smem:$0x3F9C];
	_ =	sdelay $0x3  }
0x34: {  	[smem:$0x3F9C] =	sst s10  }
0x35: {  	s10 =	sld [smem:$0x3F9B];
	_ =	sdelay $0x3  }
0x36: {  	p1 =	seq.s32 s10, $0x1;
	s10 =	sld [smem:$0x3F9C];
	_ =	sdelay $0x3  }
0x37: {  	[smem:$0x3F9C] =	sst s10  }
0x38: {  	s10 =	sld [smem:$0x3F9D]  }
0x39: {  	_ = 	snop;
	(pc) =	sbr.ind lr, $3  }
0x3a: {  	_ = 	snop  }
0x3b: {  	_ = 	snop  }
0x3c: {  	p2 =	seq.s32 s10, $0x1;
	s10 =	sld [smem:$0x3F9C]  }
0x3d: {  	_ =	shalt  }
0x3e: {  	_ =	shalt  }
0x3f: {  	_ =	shalt  }
0x40: {  	_ =	shalt  }
0x41: {  	_ =	shalt  }
0x42: {  	_ =	shalt  }
0x43: {  	_ =	shalt  }
0x44: {  	_ =	shalt  }
0x45: {  	_ =	shalt  }
0x46: {  	_ =	shalt  }
0x47: {  	_ =	shalt  }
0x48: {  	_ =	shalt  }
0x49: {  	_ =	shalt  }
0x4a: {  	_ =	shalt  }
0x4b: {  	_ =	shalt  }
0x4c: {  	_ =	shalt  }
0x4d: {  	_ =	shalt  }
0x4e: {  	_ =	shalt  }
0x4f: {  	_ =	shalt  }
0x50: {  	_ =	shalt  }
0x51: {  	_ =	shalt  }
0x52: {  	_ =	shalt  }
0x53: {  	_ =	shalt  }
0x54: {  	_ =	shalt  }
0x55: {  	_ =	shalt  }
0x56: {  	_ =	shalt  }
0x57: {  	_ =	shalt  }
0x58: {  	_ =	shalt  }
0x59: {  	_ =	shalt  }
0x5a: {  	_ =	shalt  }
0x5b: {  	_ =	shalt  }
0x5c: {  	_ =	shalt  }
0x5d: {  	_ =	shalt  }
0x5e: {  	_ =	shalt  }
0x5f: {  	_ =	shalt  }
0x60: {  	_ =	shalt  }
0x61: {  	_ =	shalt  }
0x62: {  	_ =	shalt  }
0x63: {  	_ =	shalt  }
0x64: {  	_ =	shalt  }
0x65: {  	_ =	shalt  }
0x66: {  	_ =	shalt  }
0x67: {  	_ =	shalt  }
0x68: {  	_ =	shalt  }
0x69: {  	_ =	shalt  }
0x6a: {  	_ =	shalt  }
0x6b: {  	_ =	shalt  }
0x6c: {  	_ =	shalt  }
0x6d: {  	_ =	shalt  }
0x6e: {  	_ =	shalt  }
0x6f: {  	_ =	shalt  }
0x70: {  	_ =	shalt  }
0x71: {  	_ =	shalt  }
0x72: {  	_ =	shalt  }
0x73: {  	_ =	shalt  }
0x74: {  	_ =	shalt  }
0x75: {  	_ =	shalt  }
0x76: {  	_ =	shalt  }
0x77: {  	_ =	shalt  }
0x78: {  	_ =	shalt  }
0x79: {  	_ =	shalt  }
0x7a: {  	_ =	shalt  }
0x7b: {  	_ =	shalt  }
0x7c: {  	_ =	shalt  }
0x7d: {  	_ =	shalt  }
0x7e: {  	_ =	shalt  }
0x7f: {  	_ =	shalt  }
0x80: {  	_ =	shalt  }
0x81: {  	_ =	shalt  }
0x82: {  	_ =	shalt  }
0x83: {  	_ =	shalt  }
0x84: {  	_ =	shalt  }
0x85: {  	_ =	shalt  }
0x86: {  	_ =	shalt  }
0x87: {  	_ =	shalt  }
.Lfunc_end0:
.L_simem_size_0:
called_computation.2_lowered:
.L_overlay_start_0:
0x88: {  	s2 =	sld [smem:$0x3FD9]  }
0x89: {  	s3 =	sld [smem:$0x3FFE];
	_ =	sdelay $0x1  }
0x8a: {  	s1 =	srdreg.scid  }
0x8b: {  	s0 =	sand.u32 $0x1, s1  }
0x8c: {  	s16 =	sshll.u32 s0, $0xA;
	s2 =	sadd.s32 s3, s2  }
0x8d: {  	s2 =	sadd.s32 s2, s16  }
0x8e: {  	[smem:$0x3FA8] =	sst s2  }
0x8f: {  	_ = 	snop  }
0x90: {  	(tm) =	ssettm $0x1  }
0x91: {  	s17 =	sld [smem:$0x3FFB];
	_ =	sdelay $0x3  }
0x92: {  	_ =	strace s17  }
0x93: {  	s2 =	sld [smem:$0x3FFC];
	_ =	sdelay $0x3  }
0x94: {  	_ =	strace s2  }
0x95: {  	s2 =	sld [smem:$0x3FFD];
	_ =	sdelay $0x3  }
0x96: {  	_ =	strace s2  }
0x97: {  	_ =	strace $0x8FFFFFFF  }
0x98: {  	s18 =	sld [smem:$0x3FDB];
	_ =	sdelay $0x1  }
0x99: {  	s19 =	simm.s32 $_scs_section_size  }
0x9a: {  	s4 =	simm.s32 $_size__tile_overlayer_lowered;
	s5 =	simm.s32 $_tile_overlayer_lowered  }
0x9b: {  	s22 =	simm.s32 $0x1BFF;
	s21 =	sshll.u32 s5, $0x1;
	s2 =	sadd.s32 s19, s18  }
0x9c: {  	s6 =	simm.s32 $0x0;
	s20 =	sshll.u32 s4, $0x1;
	s4 =	sadd.s32 s21, s2  }
0x9d: {  	[timem:s6], [sflag:s22] =	dma.local [hbm:s4], s20  }
0x9e: {  	_ =	swait.ge [sflag:s22], s20  }
0x9f: {  	s3 =	ssub.s32 $0x0, s20;
	[sflag:s22] =	ssyncset.done $0x0  }
0xa0: {  	[sflag:s22] =	ssyncadd.s32 s3;
	_ =	sdelay $0x1  }
0xa1: {  	s23 =	simm.s32 $0x1B8B  }
0xa2: {  	_ =	swait.ge [sflag:s23], $0x1  }
0xa3: {  	[sflag:s23] =	ssyncset.done $0x0  }
0xa4: {  	s25 =	simm.s32 $0x1B8E;
	s24 =	sld [smem:$0x3FFE];
	[sflag:s23] =	ssyncadd.s32 $0xFFFFFFFF  }
0xa5: {  	s26 =	simm.s32 $execute0_lowered;
	[smem:$0x3FD2] =	sst s25  }
0xa6: {  	s4 =	sshll.u32 s26, $0x1;
	_ =	strace $0x8000004C;
	[dreg:$0x1] =	wrdreg $0xFFFFFFFF  }
0xa7: {  	s28 =	simm.s32 $_size_execute0_lowered;
	s2 =	sadd.s32 s2, s4;
	[dreg:$0x0] =	wrdreg $0x0  }
0xa8: {  	s4 =	sshll.u32 s28, $0x1;
	[dreg:$0x2] =	wrdreg s2  }
0xa9: {  	[dreg:$0x3] =	wrdreg s4  }
0xaa: {  	[dreg:$0x4] =	wrdreg $0xC0  }
0xab: {  	_ =	task [dreg:s6], $0x5FFFF  }
0xac: {  	[dreg:$0x1] =	wrdreg $0xFFFFFFFF  }
0xad: {  	[dreg:$0x0] =	wrdreg $0x60  }
0xae: {  	[dreg:$0x2] =	wrdreg s24  }
0xaf: {  	[dreg:$0x3] =	wrdreg $0x29000  }
0xb0: {  	[dreg:$0x4] =	wrdreg $0x9  }
0xb1: {  	_ =	task.clear_ibuf [dreg:s6], $0x5FFFF;
	_ =	strace $0x9000004C  }
0xb2: {  	s29 =	simm.s32 $0x9;
	_ =	strace $0x8000004E  }
0xb3: {  	_ =	swait.ge [sflag:s29], $0x1  }
0xb4: {  	[sflag:s29] =	ssyncadd.s32 $0xFFFFFFFF  }
0xb5: {  	_ =	strace $0x9000004E  }
0xb6: {  	_ =	sfence  }
0xb7: {  	s30 =	sld [smem:$0x0];
	_ =	sdelay $0x2  }
0xb8: {  	s31 =	sshll.u32 s1, $0xD;
	s1 =	sshrl.u32 s1, $0x2  }
0xb9: {  	s3 =	sand.u32 $0x4000, s31;
	s1 =	sadd.s32 s1, s30  }
0xba: {  	s0 =	sor.u32 s3, s0;
	s1 =	sshll.u32 s1, $0x11  }
0xbb: {  	s0 =	sor.u32 s1, s0  }
0xbc: {  	s0 =	sadd.s32 $0x8F2B, s0  }
0xbd: {  	[sflag:s0] =	ssyncadd.remote.s32 $0x1  }
0xbe: {  	_ =	sfence.sel $0xFFFF  }
0xbf: {  	[dreg:$0x0] =	wrdreg $0xFFFFFFFF;
	(pc) =	sbr.abs _section_cstart, $3  }
0xc0: {  	[dreg:$0x1] =	wrdreg $0xFFFFFFFF  }
0xc1: {  	_ =	task.clear_ibuf [dreg:s6], $0x2FFFF;
	_ =	strace $0x9FFFFFFF  }
0xc2: {  	(tm) =	ssettm $0x7FFFFFFF  }
0xc3: {  	_ =	shalt  }
tec
execute0_lowered:
.L_overlay_start_1:
0x0: {  	(tag) =	ssettag $0x1  }
0x1: {  	s1 =	srdreg.scid;
	s0 =	stileid.u32  }
0x2: {  	s5 =	rddreg [dreg:$0x0];
	s4 =	smul.u32 $0x4E20, s0  }
0x3: {  	s2 =	rddreg [dreg:$0x1];
	s25 =	smul.u32 $0x9C4, s0  }
0x4: {  	s3 =	simm.s32 $0x0;
	s14 =	simm.s32 $0x100;
	s16 =	smul.u32 $0x2800, s0  }
0x5: {  	s6 =	sand.u32 $0x1, s1;
	s1 =	rddreg [dreg:$0x2];
	s28 =	smul.u32 $0x50000, s0  }
0x6: {  	s15 =	simm.s32 $0x1;
	[smem:$0x7FF] =	sst s3;
	s7 =	smul.u32 $0x4E200, s6  }
0x7: {  	s31 =	sshll.u32 s0, $0x6;
	_ =	strace $0x8000004D;
	s26 =	smul.u32 $0x28000, s6  }
0x8: {  	s6 =	ssub.s32 $0x2, s6;
	s10 =	sadd.s32 s25, s5;
	s11 =	sadd.s32 s16, s5  }
0x9: {  	s29 =	sshrl.u32 s6, $0x1;
	s30 =	sshrl.u32 s28, $0x2;
	s4 =	sadd.s32 s4, s7  }
0xa: {  	s12 =	ssub.s32 s6, s29;
	s13 =	sadd.s32 s30, s2;
	s6 =	sor.u32 $0x1C02, s31  }
0xb: {  	s8 =	sshrl.u32 s4, $0x3;
	s4 =	sadd.s32 $0xA4200, s5;
	s7 =	smax.u32 s12, $0x1  }
0xc: {  	s12 =	simm.s32 $0x80;
	s9 =	sadd.s32 s8, s5;
	s8 =	sadd.s32 s26, s5  }
0xd: {  	s5 =	sadd.s32 $0x18800, s11;
	s11 =	simm.s32 $0x2;
	s17 =	sadd.s32 $0xF2400, s8  }
0xe: {  	s8 =	sadd.s32 $0xEA00, s10;
	s9 =	sadd.s32 $0x90800, s9;
	s10 =	sshrl.u32 s13, $0x3  }
0xf: {  	s13 =	simm.s32 $0x50;
	s16 =	sadd.s32 s16, s17;
	s17 =	simm.s32 $0x0  }
.LBB2_1:
0x10: {  	[spmem:s10], [sflag:s6] =	dma.local [hbm:s5], $0x2800  }
0x11: {  	_ =	swait.ge [sflag:s11], $0x2800  }
0x12: {  	[sflag:s11] =	ssyncset.done $0x0  }
0x13: {  	[sflag:s11] =	ssyncadd.s32 $0xFFFFD800  }
0x14: {  	s18 =	sadd.s32 $0x0, s9;
	[bflag:$0x0] =	sbarrier.arrive $0xFFFF  }
0x15: {  	[tilespmem:s3], [sflag:$0x2] =	stream.linear.gather [hbm4b:s18+s3], $0x50, $0x38;
	[tilespmem:$0x16900] =	vst v63  }
0x16: {  	_ =	swait.ge [sflag:s11], $0x50  }
0x17: {  	[sflag:s11] =	ssyncset.done $0x0  }
0x18: {  	s31 =	sadd.s32 $0x0, s8;
	[sflag:s11] =	ssyncadd.s32 $0xFFFFFFB0  }
0x19: {  	[tilespmem:s12], [sflag:$0x2] =	stream.linear.gather [hbm4b:s31+s3], $0x50, $0x38;
	[tilespmem:$0x16900] =	vst v63  }
0x1a: {  	_ =	swait.ge [sflag:s11], $0x50  }
0x1b: {  	[sflag:s11] =	ssyncset.done $0x0  }
0x1c: {  	[sflag:s11] =	ssyncadd.s32 $0xFFFFFFB0  }
0x1d: {  	[tilespmem:s14], [sflag:$0x1] =	stream.indirect.gather [hbm4b:s4+s13], $0x80, s3, s13, $0xb8;
	[tilespmem:$0x16900] =	vst v63  }
0x1e: {  	_ =	swait.ge [sflag:s15], $0x2800  }
0x1f: {  	[sflag:s15] =	ssyncset.done $0x0  }
0x20: {  	[sflag:s15] =	ssyncadd.s32 $0xFFFFD800  }
0x21: {  	[spmem:s2] =	stream.indirect.scatter.add.f32 [tilespmem:s14], [sflag:$0x2], $0x80, s12, s13, $0xb8;
	[tilespmem:$0x16900] =	vst v63  }
0x22: {  	_ =	swait.ge [sflag:s11], $0x2800  }
0x23: {  	s19 =	simm.s32 $0x14;
	s18 =	simm.s32 $0xA;
	[sflag:s11] =	ssyncset.done $0x0  }
.LBB2_2:
0x24: {  	s20 =	sadd.s32 s18, s9  }
0x25: {  	[sflag:s11] =	ssyncadd.s32 $0xFFFFD800;
	s21 =	smov.u32 s19;
	s22 =	sadd.s32 $0xA, s19  }
0x26: {  	[tilespmem:s3], [sflag:$0x2] =	stream.linear.gather [hbm4b:s20+s3], $0x50, $0x38;
	[tilespmem:$0x16900] =	vst v63  }
0x27: {  	p0 =	sne.s32 s19, $0x9BA;
	_ =	swait.ge [sflag:s11], $0x50  }
0x28: {  	[sflag:s11] =	ssyncset.done $0x0  }
0x29: {  	s19 =	sadd.s32 s18, s8;
	s18 =	smov.u32 s21;
	[sflag:s11] =	ssyncadd.s32 $0xFFFFFFB0  }
0x2a: {  	[tilespmem:s12], [sflag:$0x2] =	stream.linear.gather [hbm4b:s19+s3], $0x50, $0x38;
	[tilespmem:$0x16900] =	vst v63  }
0x2b: {  	_ =	swait.ge [sflag:s11], $0x50  }
0x2c: {  	[sflag:s11] =	ssyncset.done $0x0  }
0x2d: {  	[sflag:s11] =	ssyncadd.s32 $0xFFFFFFB0  }
0x2e: {  	[tilespmem:s14], [sflag:$0x1] =	stream.indirect.gather [hbm4b:s4+s13], $0x80, s3, s13, $0xb8;
	[tilespmem:$0x16900] =	vst v63  }
0x2f: {  	_ =	swait.ge [sflag:s15], $0x2800  }
.Ltmp0:
0x30: {  	[sflag:s15] =	ssyncset.done $0x0;
	(pc) =	sbr.rel @p0 .LBB2_2-.Ltmp0, $4  }
0x31: {  	[sflag:s15] =	ssyncadd.s32 $0xFFFFD800  }
0x32: {  	[spmem:s2] =	stream.indirect.scatter.add.f32 [tilespmem:s14], [sflag:$0x2], $0x80, s12, s13, $0xb8;
	[tilespmem:$0x16900] =	vst v63  }
0x33: {  	_ =	swait.ge [sflag:s11], $0x2800  }
0x34: {  	s19 =	smov.u32 s22;
	[sflag:s11] =	ssyncset.done $0x0  }
0x35: {  	s19 =	sadd.s32 s18, s9;
	[sflag:s11] =	ssyncadd.s32 $0xFFFFD800  }
0x36: {  	[tilespmem:s3], [sflag:$0x2] =	stream.linear.gather [hbm4b:s19+s3], $0x50, $0x38;
	[tilespmem:$0x16900] =	vst v63  }
0x37: {  	_ =	swait.ge [sflag:s11], $0x50  }
0x38: {  	[sflag:s11] =	ssyncset.done $0x0  }
0x39: {  	s31 =	sadd.s32 s18, s8;
	[sflag:s11] =	ssyncadd.s32 $0xFFFFFFB0  }
0x3a: {  	[tilespmem:s12], [sflag:$0x2] =	stream.linear.gather [hbm4b:s31+s3], $0x50, $0x38;
	[tilespmem:$0x16900] =	vst v63  }
0x3b: {  	_ =	swait.ge [sflag:s11], $0x50  }
0x3c: {  	[sflag:s11] =	ssyncset.done $0x0  }
0x3d: {  	[sflag:s11] =	ssyncadd.s32 $0xFFFFFFB0  }
0x3e: {  	[tilespmem:s14], [sflag:$0x1] =	stream.indirect.gather [hbm4b:s4+s13], $0x80, s3, s13, $0xb8;
	[tilespmem:$0x16900] =	vst v63  }
0x3f: {  	_ =	swait.ge [sflag:s15], $0x2800  }
0x40: {  	[sflag:s15] =	ssyncset.done $0x0  }
0x41: {  	[sflag:s15] =	ssyncadd.s32 $0xFFFFD800  }
0x42: {  	[spmem:s2] =	stream.indirect.scatter.add.f32 [tilespmem:s14], [sflag:$0x2], $0x80, s12, s13, $0xb8;
	[tilespmem:$0x16900] =	vst v63  }
0x43: {  	_ =	swait.ge [sflag:s11], $0x2800  }
0x44: {  	s17 =	sadd.s32 $0x1, s17;
	[sflag:s11] =	ssyncset.done $0x0  }
0x45: {  	p0 =	sne.s32 s17, s7;
	[sflag:s11] =	ssyncadd.s32 $0xFFFFD800  }
.Ltmp1:
0x46: {  	[bflag:$0x0] =	sbarrier.arrive $0xFFFF;
	(pc) =	sbr.rel @p0 .LBB2_1-.Ltmp1, $4  }
0x47: {  	[hbm:s16], [sflag:s6] =	dma.local [spmem:s10], $0x2800  }
0x48: {  	_ =	swait.ge [sflag:s11], $0x2800  }
0x49: {  	[sflag:s11] =	ssyncset.done $0x0  }
0x4a: {  	[sflag:s11] =	ssyncadd.s32 $0xFFFFD800  }
0x4b: {  	_ =	sfence.sel $0x180000  }
0x4c: {  	[bflag:$0x0] =	sbarrier.arrive $0xFFFF  }
0x4d: {  	p0 =	sne.s32 s0, $0x0;
	_ =	strace $0x9000004D  }
0x4e: {  	s0 =	sadd.s32 @!p0 $0x100000, s1;
	[bflag:$0x2] =	sbarrier.arrive $0xFFFF  }
0x4f: {  	[sflag:s0] =	ssyncadd.tile.s32 @!p0 $0x1;
	_ =	shalt  }
.Lfunc_end2:
_tile_overlayer_lowered:
.L_overlay_start_2:
0x50: {  	(tag) =	ssettag $0x2  }
0x51: {  	s0 =	rddreg [dreg:$0x0];
	s2 =	stileid.u32  }
0x52: {  	s1 =	rddreg [dreg:$0x1];
	p0 =	sne.s32 s2, $0x0  }
0x53: {  	s3 =	rddreg [dreg:$0x2];
	[bflag:$0x3] =	sbarrier.arrive $0xFFFF;
	s2 =	simm.s32 @!p0 $0x1C02  }
0x54: {  	[timem:s3], [sflag:s2] =	dma.local @!p0 [hbm:s0], s1  }
0x55: {  	s0 =	simm.s32 @!p0 $0x2  }
0x56: {  	_ =	swait.ge @!p0 [sflag:s0], s1  }
0x57: {  	s1 =	ssub.s32 @!p0 $0x0, s1;
	[sflag:s0] =	ssyncset.done @!p0 $0x0  }
0x58: {  	[sflag:s0] =	ssyncadd.s32 @!p0 s1  }
0x59: {  	[bflag:$0x3] =	sbarrier.arrive $0xFFFF  }
0x5a: {  	_ =	shalt  }

// kernel: kernel.8.cloned.1.call-start
scs
__scs_entry_jumppad:
0x0: {  	(pc) =	sbr.rel $0x88, $3  }
0x1: {  	(tag) =	ssettag $0x0;
	lr =	simm.s32 $0x1  }
0x2: {  	[smem:$0x3F81] =	sst lr;
	_ =	strace $0xD0000000  }
0x3: {  	_ = 	snop  }
0x4: {  	_ = 	snop  }
0x5: {  	_ = 	snop  }
0x6: {  	_ = 	snop  }
0x7: {  	_ = 	snop  }
__scs_overlays_trampoline_lowered:
0x8: {  	[smem:$0x3F90] =	sst s0  }
0x9: {  	[smem:$0x3F91] =	sst s1  }
0xa: {  	[smem:$0x3F92] =	sst s2  }
0xb: {  	[smem:$0x3F93] =	sst s3  }
0xc: {  	[smem:$0x3F94] =	sst s4  }
0xd: {  	[smem:$0x3F95] =	sst s5  }
0xe: {  	[smem:$0x3F96] =	sst s6  }
0xf: {  	[smem:$0x3F97] =	sst s7  }
0x10: {  	[smem:$0x3F98] =	sst s8  }
0x11: {  	[smem:$0x3F99] =	sst s9;
	s0 =	simm.s32 @!p0 $0x0  }
0x12: {  	s1 =	sld [smem:$0x3F7F];
	s0 =	simm.s32 @p0 $0x1  }
0x13: {  	[smem:$0x3F9A] =	sst s0;
	s0 =	simm.s32 @!p1 $0x0  }
0x14: {  	s2 =	sld [smem:$0x3F7E];
	s0 =	simm.s32 @p1 $0x1  }
0x15: {  	[smem:$0x3F9B] =	sst s0;
	s0 =	simm.s32 @!p2 $0x0  }
0x16: {  	s3 =	sld [smem:$0x3FDB];
	s0 =	simm.s32 @p2 $0x1  }
0x17: {  	s4 =	simm.s32 $0x1BF5;
	[smem:$0x3F9D] =	sst s0  }
0x18: {  	s0 =	sld [smem:$0x3F80];
	_ =	swait.ge [sflag:s4], $0x0  }
0x19: {  	s7 =	sld [smem:$0x3F81]  }
0x1a: {  	s8 =	sadd.s32 $0xFFFFE003, lr  }
0x1b: {  	s9 =	sadd.s32 $0xFFFFFEF7, lr;
	s5 =	simm.s32 $0xFFFFFFFF;
	p2 =	slt.u32 s8, $0xFFFFF086  }
0x1c: {  	p1 =	slt.u32 s9, $0xF7A;
	s5 =	simm.s32 @!p2 $0x0  }
0x1d: {  	s5 =	simm.s32 @p1 $0x1;
	p0 =	seq.s32 s7, s2  }
0x1e: {  	s7 =	smul.u32 @!p0 $0xF7A, s2;
	p2 =	seq.s32 @!p0 s5, $0x0  }
0x1f: {  	s9 =	smul.u32 $0xF7A, s1;
	s8 =	simm.s32 @!p0 $0x1BF5;
	p2 =	por !p2, p0  }
0x20: {  	[sflag:s8] =	ssyncset.s32 @!p0 $0xFFFFF086;
	s6 =	sadd.s32 @!p0 s3, s7;
	s7 =	simm.s32 @!p0 $0x108  }
0x21: {  	s3 =	sadd.s32 s3, s9;
	s6 =	sadd.s32 @!p0 $0x88, s6;
	s7 =	simm.s32 @p2 $0x1082  }
0x22: {  	[simem:s7], [sflag:s8] =	dma.local @!p0 [hbm:s6], $0xF7A  }
0x23: {  	s9 =	sor.u32 $0xD0000000, s2;
	s6 =	simm.s32 $0x108;
	_ =	swait.ge @!p0 [sflag:s8], $0x0  }
0x24: {  	s3 =	sadd.s32 $0x88, s3;
	s6 =	simm.s32 @!p1 $0x1082;
	[sflag:s4] =	ssyncset.s32 $0xFFFFF086  }
0x25: {  	[simem:s6], [sflag:s4] =	dma.local [hbm:s3], $0xF7A  }
0x26: {  	[smem:$0x3F81] =	sst s1;
	(tag) =	ssettag s2;
	_ =	strace s9  }
0x27: {  	s1 =	sld [smem:$0x3F91]  }
0x28: {  	s2 =	sld [smem:$0x3F92]  }
0x29: {  	s4 =	sld [smem:$0x3F94]  }
0x2a: {  	p0 =	seq.s32 s5, $0x0;
	s5 =	sld [smem:$0x3F95]  }
0x2b: {  	s6 =	sld [smem:$0x3F96]  }
0x2c: {  	s7 =	sld [smem:$0x3F97]  }
0x2d: {  	s3 =	simm.s32 $0x108;
	s8 =	sld [smem:$0x3F98]  }
0x2e: {  	s3 =	simm.s32 @!p0 $0x1082;
	s9 =	sld [smem:$0x3F99]  }
0x2f: {  	lr =	sadd.s32 s0, s3;
	s0 =	sld [smem:$0x3F90]  }
0x30: {  	s3 =	sld [smem:$0x3F93]  }
0x31: {  	[smem:$0x3F9C] =	sst s10  }
0x32: {  	s10 =	sld [smem:$0x3F9A];
	_ =	sdelay $0x3  }
0x33: {  	p0 =	seq.s32 s10, $0x1;
	s10 =	sld [smem:$0x3F9C];
	_ =	sdelay $0x3  }
0x34: {  	[smem:$0x3F9C] =	sst s10  }
0x35: {  	s10 =	sld [smem:$0x3F9B];
	_ =	sdelay $0x3  }
0x36: {  	p1 =	seq.s32 s10, $0x1;
	s10 =	sld [smem:$0x3F9C];
	_ =	sdelay $0x3  }
0x37: {  	[smem:$0x3F9C] =	sst s10  }
0x38: {  	s10 =	sld [smem:$0x3F9D]  }
0x39: {  	_ = 	snop;
	(pc) =	sbr.ind lr, $3  }
0x3a: {  	_ = 	snop  }
0x3b: {  	_ = 	snop  }
0x3c: {  	p2 =	seq.s32 s10, $0x1;
	s10 =	sld [smem:$0x3F9C]  }
0x3d: {  	_ =	shalt  }
0x3e: {  	_ =	shalt  }
0x3f: {  	_ =	shalt  }
0x40: {  	_ =	shalt  }
0x41: {  	_ =	shalt  }
0x42: {  	_ =	shalt  }
0x43: {  	_ =	shalt  }
0x44: {  	_ =	shalt  }
0x45: {  	_ =	shalt  }
0x46: {  	_ =	shalt  }
0x47: {  	_ =	shalt  }
0x48: {  	_ =	shalt  }
0x49: {  	_ =	shalt  }
0x4a: {  	_ =	shalt  }
0x4b: {  	_ =	shalt  }
0x4c: {  	_ =	shalt  }
0x4d: {  	_ =	shalt  }
0x4e: {  	_ =	shalt  }
0x4f: {  	_ =	shalt  }
0x50: {  	_ =	shalt  }
0x51: {  	_ =	shalt  }
0x52: {  	_ =	shalt  }
0x53: {  	_ =	shalt  }
0x54: {  	_ =	shalt  }
0x55: {  	_ =	shalt  }
0x56: {  	_ =	shalt  }
0x57: {  	_ =	shalt  }
0x58: {  	_ =	shalt  }
0x59: {  	_ =	shalt  }
0x5a: {  	_ =	shalt  }
0x5b: {  	_ =	shalt  }
0x5c: {  	_ =	shalt  }
0x5d: {  	_ =	shalt  }
0x5e: {  	_ =	shalt  }
0x5f: {  	_ =	shalt  }
0x60: {  	_ =	shalt  }
0x61: {  	_ =	shalt  }
0x62: {  	_ =	shalt  }
0x63: {  	_ =	shalt  }
0x64: {  	_ =	shalt  }
0x65: {  	_ =	shalt  }
0x66: {  	_ =	shalt  }
0x67: {  	_ =	shalt  }
0x68: {  	_ =	shalt  }
0x69: {  	_ =	shalt  }
0x6a: {  	_ =	shalt  }
0x6b: {  	_ =	shalt  }
0x6c: {  	_ =	shalt  }
0x6d: {  	_ =	shalt  }
0x6e: {  	_ =	shalt  }
0x6f: {  	_ =	shalt  }
0x70: {  	_ =	shalt  }
0x71: {  	_ =	shalt  }
0x72: {  	_ =	shalt  }
0x73: {  	_ =	shalt  }
0x74: {  	_ =	shalt  }
0x75: {  	_ =	shalt  }
0x76: {  	_ =	shalt  }
0x77: {  	_ =	shalt  }
0x78: {  	_ =	shalt  }
0x79: {  	_ =	shalt  }
0x7a: {  	_ =	shalt  }
0x7b: {  	_ =	shalt  }
0x7c: {  	_ =	shalt  }
0x7d: {  	_ =	shalt  }
0x7e: {  	_ =	shalt  }
0x7f: {  	_ =	shalt  }
0x80: {  	_ =	shalt  }
0x81: {  	_ =	shalt  }
0x82: {  	_ =	shalt  }
0x83: {  	_ =	shalt  }
0x84: {  	_ =	shalt  }
0x85: {  	_ =	shalt  }
0x86: {  	_ =	shalt  }
0x87: {  	_ =	shalt  }
.Lfunc_end0:
.L_simem_size_0:
called_computation_lowered:
.L_overlay_start_0:
0x88: {  	s2 =	sld [smem:$0x3FD9]  }
0x89: {  	s3 =	sld [smem:$0x3FFE];
	_ =	sdelay $0x1  }
0x8a: {  	s1 =	srdreg.scid  }
0x8b: {  	s0 =	sand.u32 $0x1, s1  }
0x8c: {  	s17 =	sshll.u32 s0, $0xA;
	s2 =	sadd.s32 s3, s2  }
0x8d: {  	s2 =	sadd.s32 s2, s17  }
0x8e: {  	[smem:$0x3FA8] =	sst s2  }
0x8f: {  	_ = 	snop  }
0x90: {  	s2 =	sld [smem:$0x3FC9];
	(tm) =	ssettm $0x1  }
0x91: {  	s18 =	sld [smem:$0x3FFB];
	_ =	sdelay $0x3  }
0x92: {  	_ =	strace s18  }
0x93: {  	s3 =	sld [smem:$0x3FFC];
	_ =	sdelay $0x3  }
0x94: {  	_ =	strace s3  }
0x95: {  	s3 =	sld [smem:$0x3FFD];
	_ =	sdelay $0x3  }
0x96: {  	_ =	strace s3  }
0x97: {  	_ =	strace $0x8FFFFFFF  }
0x98: {  	s19 =	sld [smem:$0x3FDB];
	_ =	sdelay $0x1  }
0x99: {  	s4 =	simm.s32 $_scs_section_size  }
0x9a: {  	s5 =	simm.s32 $_size__tile_overlayer_lowered;
	s6 =	simm.s32 $_tile_overlayer_lowered  }
0x9b: {  	s22 =	simm.s32 $0x1BFF;
	s21 =	sshll.u32 s6, $0x1;
	s3 =	sadd.s32 s4, s19  }
0x9c: {  	s7 =	simm.s32 $0x0;
	s20 =	sshll.u32 s5, $0x1;
	s5 =	sadd.s32 s21, s3  }
0x9d: {  	[timem:s7], [sflag:s22] =	dma.local [hbm:s5], s20  }
0x9e: {  	_ =	swait.ge [sflag:s22], s20  }
0x9f: {  	s4 =	ssub.s32 $0x0, s20;
	[sflag:s22] =	ssyncset.done $0x0  }
0xa0: {  	[sflag:s22] =	ssyncadd.s32 s4;
	_ =	sdelay $0x1  }
0xa1: {  	s23 =	simm.s32 $0x1B8B  }
0xa2: {  	_ =	swait.ge [sflag:s23], $0x1  }
0xa3: {  	[sflag:s23] =	ssyncset.done $0x0  }
0xa4: {  	s25 =	simm.s32 $0x1B8E;
	s24 =	sld [smem:$0x3FFE];
	[sflag:s23] =	ssyncadd.s32 $0xFFFFFFFF  }
0xa5: {  	s26 =	simm.s32 $execute0_lowered;
	[smem:$0x3FD2] =	sst s25  }
0xa6: {  	s5 =	sshll.u32 s26, $0x1;
	_ =	strace $0x80000046;
	[dreg:$0x1] =	wrdreg $0xFFFFFFFF  }
0xa7: {  	s28 =	simm.s32 $_size_execute0_lowered;
	s3 =	sadd.s32 s3, s5;
	[dreg:$0x0] =	wrdreg $0x0  }
0xa8: {  	s5 =	sshll.u32 s28, $0x1;
	[dreg:$0x2] =	wrdreg s3  }
0xa9: {  	[dreg:$0x3] =	wrdreg s5  }
0xaa: {  	[dreg:$0x4] =	wrdreg $0xC0  }
0xab: {  	_ =	task [dreg:s7], $0x5FFFF  }
0xac: {  	[dreg:$0x1] =	wrdreg $0xFFFFFFFF  }
0xad: {  	[dreg:$0x0] =	wrdreg $0x60  }
0xae: {  	[dreg:$0x2] =	wrdreg s2  }
0xaf: {  	[dreg:$0x3] =	wrdreg s24  }
0xb0: {  	[dreg:$0x4] =	wrdreg $0x29000  }
0xb1: {  	[dreg:$0x5] =	wrdreg $0x9  }
0xb2: {  	_ =	task.clear_ibuf [dreg:s7], $0x6FFFF;
	_ =	strace $0x90000046  }
0xb3: {  	s29 =	simm.s32 $0x9;
	_ =	strace $0x80000048  }
0xb4: {  	_ =	swait.ge [sflag:s29], $0x1  }
0xb5: {  	[sflag:s29] =	ssyncadd.s32 $0xFFFFFFFF  }
0xb6: {  	_ =	strace $0x90000048  }
0xb7: {  	_ =	sfence  }
0xb8: {  	s30 =	sld [smem:$0x0];
	_ =	sdelay $0x2  }
0xb9: {  	s31 =	sshll.u32 s1, $0xD;
	s1 =	sshrl.u32 s1, $0x2  }
0xba: {  	s3 =	sand.u32 $0x4000, s31;
	s1 =	sadd.s32 s1, s30  }
0xbb: {  	s0 =	sor.u32 s3, s0;
	s1 =	sshll.u32 s1, $0x11  }
0xbc: {  	s0 =	sor.u32 s1, s0  }
0xbd: {  	s0 =	sadd.s32 $0x8F2B, s0  }
0xbe: {  	[sflag:s0] =	ssyncadd.remote.s32 $0x1  }
0xbf: {  	_ =	sfence.sel $0xFFFF  }
0xc0: {  	[dreg:$0x0] =	wrdreg $0xFFFFFFFF;
	(pc) =	sbr.abs _section_cstart, $3  }
0xc1: {  	[dreg:$0x1] =	wrdreg $0xFFFFFFFF  }
0xc2: {  	_ =	task.clear_ibuf [dreg:s7], $0x2FFFF;
	_ =	strace $0x9FFFFFFF  }
0xc3: {  	(tm) =	ssettm $0x7FFFFFFF  }
tec
execute0_lowered:
.L_overlay_start_1:
0x0: {  	(tag) =	ssettag $0x1  }
0x1: {  	s1 =	rddreg [dreg:$0x0]  }
0x2: {  	s0 =	srdreg.scid;
	s5 =	rddreg [dreg:$0x1]  }
0x3: {  	s3 =	rddreg [dreg:$0x2];
	s6 =	sand.u32 $0x1, s0  }
0x4: {  	s0 =	stileid.u32;
	s7 =	smul.u32 $0x27100, s6  }
0x5: {  	s2 =	rddreg [dreg:$0x3];
	s4 =	simm.s32 $0x0;
	s8 =	smul.u32 $0x2710, s0  }
0x6: {  	s13 =	simm.s32 $0x50;
	s14 =	simm.s32 $0x100;
	s16 =	smul.u32 $0x2800, s0  }
0x7: {  	s15 =	simm.s32 $0x1;
	[smem:$0x7FF] =	sst s4;
	s26 =	smul.u32 $0x28000, s6  }
0x8: {  	_ =	strace $0x80000047;
	s6 =	ssub.s32 $0x2, s6;
	s28 =	smul.u32 $0x50000, s0  }
0x9: {  	s31 =	sshll.u32 s0, $0x6;
	s29 =	sshrl.u32 s6, $0x1;
	s7 =	sadd.s32 s8, s7  }
0xa: {  	s10 =	sadd.s32 s16, s5;
	s8 =	sadd.s32 s26, s5;
	s11 =	ssub.s32 s6, s29  }
0xb: {  	s30 =	sshrl.u32 s28, $0x2;
	s6 =	sor.u32 $0x1C02, s31;
	s7 =	sshrl.u32 s7, $0x3  }
0xc: {  	s12 =	sadd.s32 s30, s3;
	s17 =	sadd.s32 $0x40800, s8;
	s9 =	sadd.s32 s7, s5  }
0xd: {  	s5 =	sadd.s32 $0x18800, s10;
	s7 =	smax.u32 s11, $0x1;
	s10 =	sshrl.u32 s12, $0x3  }
0xe: {  	s11 =	simm.s32 $0x2;
	s12 =	simm.s32 $0x80;
	s16 =	sadd.s32 s16, s17  }
0xf: {  	s17 =	simm.s32 $0x0;
	s8 =	sadd.s32 $0xEA00, s9;
	s9 =	sadd.s32 $0x4C00, s9  }
.LBB2_1:
0x10: {  	[spmem:s10], [sflag:s6] =	dma.local [hbm:s5], $0x2800  }
0x11: {  	_ =	swait.ge [sflag:s11], $0x2800  }
0x12: {  	[sflag:s11] =	ssyncset.done $0x0  }
0x13: {  	[sflag:s11] =	ssyncadd.s32 $0xFFFFD800  }
0x14: {  	s18 =	sadd.s32 $0x0, s9;
	[bflag:$0x0] =	sbarrier.arrive $0xFFFF  }
0x15: {  	[tilespmem:s4], [sflag:$0x2] =	stream.linear.gather [hbm4b:s18+s4], $0x50, $0x38;
	[tilespmem:$0x16900] =	vst v63  }
0x16: {  	_ =	swait.ge [sflag:s11], $0x50  }
0x17: {  	[sflag:s11] =	ssyncset.done $0x0  }
0x18: {  	s31 =	sadd.s32 $0x0, s8;
	[sflag:s11] =	ssyncadd.s32 $0xFFFFFFB0  }
0x19: {  	[tilespmem:s12], [sflag:$0x2] =	stream.linear.gather [hbm4b:s31+s4], $0x50, $0x38;
	[tilespmem:$0x16900] =	vst v63  }
0x1a: {  	_ =	swait.ge [sflag:s11], $0x50  }
0x1b: {  	[sflag:s11] =	ssyncset.done $0x0  }
0x1c: {  	[sflag:s11] =	ssyncadd.s32 $0xFFFFFFB0  }
0x1d: {  	[tilespmem:s14], [sflag:$0x1] =	stream.indirect.gather [hbm4b:s1+s13], $0x80, s4, s13, $0xb8;
	[tilespmem:$0x16900] =	vst v63  }
0x1e: {  	_ =	swait.ge [sflag:s15], $0x2800  }
0x1f: {  	[sflag:s15] =	ssyncset.done $0x0  }
0x20: {  	[sflag:s15] =	ssyncadd.s32 $0xFFFFD800  }
0x21: {  	[spmem:s3] =	stream.indirect.scatter.add.f32 [tilespmem:s14], [sflag:$0x2], $0x80, s12, s13, $0xb8;
	[tilespmem:$0x16900] =	vst v63  }
0x22: {  	_ =	swait.ge [sflag:s11], $0x2800  }
0x23: {  	s19 =	simm.s32 $0x14;
	s18 =	simm.s32 $0xA;
	[sflag:s11] =	ssyncset.done $0x0  }
.LBB2_2:
0x24: {  	s20 =	sadd.s32 s18, s9  }
0x25: {  	[sflag:s11] =	ssyncadd.s32 $0xFFFFD800;
	s21 =	smov.u32 s19;
	s22 =	sadd.s32 $0xA, s19  }
0x26: {  	[tilespmem:s4], [sflag:$0x2] =	stream.linear.gather [hbm4b:s20+s4], $0x50, $0x38;
	[tilespmem:$0x16900] =	vst v63  }
0x27: {  	p0 =	sne.s32 s19, $0x4D8;
	_ =	swait.ge [sflag:s11], $0x50  }
0x28: {  	[sflag:s11] =	ssyncset.done $0x0  }
0x29: {  	s19 =	sadd.s32 s18, s8;
	s18 =	smov.u32 s21;
	[sflag:s11] =	ssyncadd.s32 $0xFFFFFFB0  }
0x2a: {  	[tilespmem:s12], [sflag:$0x2] =	stream.linear.gather [hbm4b:s19+s4], $0x50, $0x38;
	[tilespmem:$0x16900] =	vst v63  }
0x2b: {  	_ =	swait.ge [sflag:s11], $0x50  }
0x2c: {  	[sflag:s11] =	ssyncset.done $0x0  }
0x2d: {  	[sflag:s11] =	ssyncadd.s32 $0xFFFFFFB0  }
0x2e: {  	[tilespmem:s14], [sflag:$0x1] =	stream.indirect.gather [hbm4b:s1+s13], $0x80, s4, s13, $0xb8;
	[tilespmem:$0x16900] =	vst v63  }
0x2f: {  	_ =	swait.ge [sflag:s15], $0x2800  }
.Ltmp0:
0x30: {  	[sflag:s15] =	ssyncset.done $0x0;
	(pc) =	sbr.rel @p0 .LBB2_2-.Ltmp0, $4  }
0x31: {  	[sflag:s15] =	ssyncadd.s32 $0xFFFFD800  }
0x32: {  	[spmem:s3] =	stream.indirect.scatter.add.f32 [tilespmem:s14], [sflag:$0x2], $0x80, s12, s13, $0xb8;
	[tilespmem:$0x16900] =	vst v63  }
0x33: {  	_ =	swait.ge [sflag:s11], $0x2800  }
0x34: {  	s19 =	smov.u32 s22;
	[sflag:s11] =	ssyncset.done $0x0  }
0x35: {  	s19 =	sadd.s32 s18, s9;
	[sflag:s11] =	ssyncadd.s32 $0xFFFFD800  }
0x36: {  	[tilespmem:s4], [sflag:$0x2] =	stream.linear.gather [hbm4b:s19+s4], $0x50, $0x38;
	[tilespmem:$0x16900] =	vst v63  }
0x37: {  	_ =	swait.ge [sflag:s11], $0x50  }
0x38: {  	[sflag:s11] =	ssyncset.done $0x0  }
0x39: {  	s31 =	sadd.s32 s18, s8;
	[sflag:s11] =	ssyncadd.s32 $0xFFFFFFB0  }
0x3a: {  	[tilespmem:s12], [sflag:$0x2] =	stream.linear.gather [hbm4b:s31+s4], $0x50, $0x38;
	[tilespmem:$0x16900] =	vst v63  }
0x3b: {  	_ =	swait.ge [sflag:s11], $0x50  }
0x3c: {  	[sflag:s11] =	ssyncset.done $0x0  }
0x3d: {  	[sflag:s11] =	ssyncadd.s32 $0xFFFFFFB0  }
0x3e: {  	[tilespmem:s14], [sflag:$0x1] =	stream.indirect.gather [hbm4b:s1+s13], $0x80, s4, s13, $0xb8;
	[tilespmem:$0x16900] =	vst v63  }
0x3f: {  	_ =	swait.ge [sflag:s15], $0x2800  }
0x40: {  	[sflag:s15] =	ssyncset.done $0x0  }
0x41: {  	[sflag:s15] =	ssyncadd.s32 $0xFFFFD800  }
0x42: {  	[spmem:s3] =	stream.indirect.scatter.add.f32 [tilespmem:s14], [sflag:$0x2], $0x80, s12, s13, $0xb8;
	[tilespmem:$0x16900] =	vst v63  }
0x43: {  	_ =	swait.ge [sflag:s11], $0x2800  }
0x44: {  	s17 =	sadd.s32 $0x1, s17;
	[sflag:s11] =	ssyncset.done $0x0  }
0x45: {  	p0 =	sne.s32 s17, s7;
	[sflag:s11] =	ssyncadd.s32 $0xFFFFD800  }
.Ltmp1:
0x46: {  	[bflag:$0x0] =	sbarrier.arrive $0xFFFF;
	(pc) =	sbr.rel @p0 .LBB2_1-.Ltmp1, $4  }
0x47: {  	[hbm:s16], [sflag:s6] =	dma.local [spmem:s10], $0x2800  }
0x48: {  	_ =	swait.ge [sflag:s11], $0x2800  }
0x49: {  	[sflag:s11] =	ssyncset.done $0x0  }
0x4a: {  	[sflag:s11] =	ssyncadd.s32 $0xFFFFD800  }
0x4b: {  	_ =	sfence.sel $0x180000  }
0x4c: {  	[bflag:$0x0] =	sbarrier.arrive $0xFFFF  }
0x4d: {  	p0 =	sne.s32 s0, $0x0;
	_ =	strace $0x90000047  }
0x4e: {  	s0 =	sadd.s32 @!p0 $0x100000, s2;
	[bflag:$0x2] =	sbarrier.arrive $0xFFFF  }
0x4f: {  	[sflag:s0] =	ssyncadd.tile.s32 @!p0 $0x1;
	_ =	shalt  }
.Lfunc_end2:
_tile_overlayer_lowered:
.L_overlay_start_2:
0x50: {  	(tag) =	ssettag $0x2  }
0x51: {  	s0 =	rddreg [dreg:$0x0];
	s2 =	stileid.u32  }
0x52: {  	s1 =	rddreg [dreg:$0x1];
	p0 =	sne.s32 s2, $0x0  }
0x53: {  	s3 =	rddreg [dreg:$0x2];
	[bflag:$0x3] =	sbarrier.arrive $0xFFFF;
	s2 =	simm.s32 @!p0 $0x1C02  }
0x54: {  	[timem:s3], [sflag:s2] =	dma.local @!p0 [hbm:s0], s1  }
0x55: {  	s0 =	simm.s32 @!p0 $0x2  }
0x56: {  	_ =	swait.ge @!p0 [sflag:s0], s1  }
0x57: {  	s1 =	ssub.s32 @!p0 $0x0, s1;
	[sflag:s0] =	ssyncset.done @!p0 $0x0  }
0x58: {  	[sflag:s0] =	ssyncadd.s32 @!p0 s1  }
0x59: {  	[bflag:$0x3] =	sbarrier.arrive $0xFFFF  }
0x5a: {  	_ =	shalt  }

</sc_bundles>
